<compile_context>
chip_gen: v7x
topology: tpu7x:2x2x1
jax: 0.10.2.dev20260603
libtpu: 0.0.44.dev20260713+nightly
codegen_flags: <defaults>
</compile_context>

<pallas_src>
import functools

import jax
import jax.numpy as jnp
from jax import lax
from jax.experimental import pallas as pl
from jax.experimental.pallas import tpu as pltpu
from jax.experimental.pallas import tpu_sc as plsc

N = 10000
E = 320000
DF = 128
D0 = 64
D1 = 32

NC = 2
NS = 16
NW = NC * NS

EPW = 10240
EP = NW * EPW
NPAD = 240
NP = N + NPAD
RB = 1024
CW = 16


def _mesh():
    return plsc.VectorSubcoreMesh(
        core_axis_name="c", subcore_axis_name="s", num_cores=NC, num_subcores=NS
    )


def _make_sc_segsum(D, with_counts, chw, stage_table=False):
    nch = EPW // chw
    out_type = [jax.ShapeDtypeStruct((NC, NP, D), jnp.float32)]
    scratch = [
        pltpu.VMEM_SHARED((NP, D), jnp.float32) if stage_table else None,
        pltpu.VMEM_SHARED((NP, D), jnp.float32),
        pltpu.VMEM((nch, chw), jnp.int32),
        pltpu.VMEM((nch, chw), jnp.int32),
        pltpu.VMEM((chw, D), jnp.float32),
        pltpu.VMEM((chw, D), jnp.float32),
        pltpu.SemaphoreType.DMA,
        pltpu.SemaphoreType.DMA,
        pltpu.SemaphoreType.DMA,
    ]
    if with_counts:
        out_type.append(jax.ShapeDtypeStruct((NC, NP, CW), jnp.float32))
        scratch += [
            pltpu.VMEM_SHARED((NP, CW), jnp.float32),
            pltpu.VMEM((chw, CW), jnp.float32),
        ]

    rpt = NP // NS

    def body(y_hbm, src_hbm, dst_hbm, zer_d, zer_c, ones_hbm, *rest):
        if with_counts:
            (acc_out, cnt_out, acc_sp, sidx, didx, rows0, rows1, sem0,
             sem1, semc, cnt_sp, ones_v) = rest
        else:
            (acc_out, *maybe_ysp, acc_sp, sidx, didx, rows0, rows1, sem0, sem1,
             semc) = rest
            y_sp = maybe_ysp[0] if stage_table else None
        y_src = y_sp if stage_table else y_hbm
        c = lax.axis_index("c")
        s = lax.axis_index("s")
        wid = c * NS + s
        r0 = s * rpt
        stage = [
            pltpu.async_copy(zer_d.at[pl.ds(r0, rpt)], acc_sp.at[pl.ds(r0, rpt)], sem0),
            pltpu.async_copy(src_hbm.at[wid], sidx, sem0),
            pltpu.async_copy(dst_hbm.at[wid], didx, sem0),
        ]
        if stage_table:
            stage.append(pltpu.async_copy(
                y_hbm.at[pl.ds(r0, rpt)], y_sp.at[pl.ds(r0, rpt)], sem0))
        if with_counts:
            stage.append(pltpu.async_copy(
                zer_c.at[pl.ds(r0, rpt)], cnt_sp.at[pl.ds(r0, rpt)], sem0))
            stage.append(pltpu.async_copy(ones_hbm, ones_v, sem0))
        for cp in stage:
            cp.wait()
        plsc.subcore_barrier()

        pltpu.async_copy(y_src.at[sidx.at[0]], rows0, sem0)

        def step(jj, carry):
            j0 = 2 * jj
            j1 = j0 + 1
            pltpu.async_copy(y_src.at[sidx.at[j1]], rows1, sem1)
            pltpu.make_async_copy(y_src.at[sidx.at[j0]], rows0, sem0).wait()
            pltpu.sync_copy(rows0, acc_sp.at[didx.at[j0]], add=True)
            if with_counts:
                pltpu.async_copy(ones_v, cnt_sp.at[didx.at[j0]], semc, add=True)

            @pl.when(jj < nch // 2 - 1)
            def _issue():
                pltpu.async_copy(y_src.at[sidx.at[j0 + 2]], rows0, sem0)

            pltpu.make_async_copy(y_src.at[sidx.at[j1]], rows1, sem1).wait()
            pltpu.sync_copy(rows1, acc_sp.at[didx.at[j1]], add=True)
            if with_counts:
                pltpu.async_copy(ones_v, cnt_sp.at[didx.at[j1]], semc, add=True)
            return carry

        lax.fori_loop(0, nch // 2, step, 0)
        if with_counts:
            def drain(j, carry):
                pltpu.make_async_copy(ones_v, cnt_sp.at[didx.at[j]], semc).wait()
                return carry
            lax.fori_loop(0, nch, drain, 0)
        plsc.subcore_barrier()
        wb = [pltpu.async_copy(
            acc_sp.at[pl.ds(r0, rpt)], acc_out.at[c, pl.ds(r0, rpt)], sem0)]
        if with_counts:
            wb.append(pltpu.async_copy(
                cnt_sp.at[pl.ds(r0, rpt)], cnt_out.at[c, pl.ds(r0, rpt)], sem0))
        for cp in wb:
            cp.wait()

    return pl.kernel(
        body,
        out_type=out_type,
        mesh=_mesh(),
        scratch_types=[s for s in scratch if s is not None],
        compiler_params=pltpu.CompilerParams(use_tc_tiling_on_sc=False),
    )



def _tc1_body(x_ref, wp_ref, bp_ref, wl_ref, wr_ref, bl_ref, y_ref, r_ref):
    e = jnp.dot(x_ref[...], wp_ref[...], preferred_element_type=jnp.float32)
    e = e + bp_ref[...]
    y_ref[0:N, :] = jnp.dot(e, wl_ref[...], preferred_element_type=jnp.float32)
    r_ref[0:N, :] = (
        jnp.dot(e, wr_ref[...], preferred_element_type=jnp.float32) + bl_ref[...]
    )


def _tc1(x, wpt, bp, wlt, wrt, bl):
    return pl.pallas_call(
        _tc1_body,
        out_shape=[
            jax.ShapeDtypeStruct((NP, D0), jnp.float32),
            jax.ShapeDtypeStruct((NP, D0), jnp.float32),
        ],
    )(x, wpt, bp, wlt, wrt, bl)


def _tc2_body(acc_ref, cnt_ref, r_ref, wl_ref, wr_ref, bl_ref, y_ref, o_ref):
    cnt = cnt_ref[0, :, 0:1] + cnt_ref[1, :, 0:1]
    mean = (acc_ref[0] + acc_ref[1]) / jnp.maximum(cnt, 1.0)
    h = jnp.maximum(mean + r_ref[...], 0.0)
    y_ref[...] = jnp.dot(h, wl_ref[...], preferred_element_type=jnp.float32)
    o_ref[...] = (
        jnp.dot(h, wr_ref[...], preferred_element_type=jnp.float32) + bl_ref[...]
    )


def _tc2(accp, cntp, r0p, wlt, wrt, bl):
    return pl.pallas_call(
        _tc2_body,
        out_shape=[
            jax.ShapeDtypeStruct((NP, D1), jnp.float32),
            jax.ShapeDtypeStruct((NP, D1), jnp.float32),
        ],
    )(accp, cntp, r0p, wlt, wrt, bl)


def _tc3_body(acc_ref, cnt_ref, r_ref, o_ref):
    cnt = cnt_ref[0, 0:N, 0:1] + cnt_ref[1, 0:N, 0:1]
    mean = (acc_ref[0, 0:N] + acc_ref[1, 0:N]) / jnp.maximum(cnt, 1.0)
    o = mean + r_ref[0:N]
    m = jnp.max(o, axis=1, keepdims=True)
    z = o - m
    lse = jnp.log(jnp.sum(jnp.exp(z), axis=1, keepdims=True))
    o_ref[...] = z - lse


def _tc3(accp, cntp, r1p):
    return pl.pallas_call(
        _tc3_body,
        out_shape=jax.ShapeDtypeStruct((N, D1), jnp.float32),
    )(accp, cntp, r1p)


def kernel(x, edge_index, W_pre, b_pre, W_l0, b_l0, W_r0, W_l1, b_l1, W_r1):
    src = edge_index[0]
    dst = edge_index[1]
    pad_idx = (N + (jnp.arange(EP - E, dtype=jnp.int32) % NPAD)).astype(jnp.int32)
    srcf = jnp.concatenate([src, pad_idx])
    dstf = jnp.concatenate([dst, pad_idx])
    chw0, chw1 = 256, 1024
    srcr0 = srcf.reshape(NW, EPW // chw0, chw0)
    dstr0 = dstf.reshape(NW, EPW // chw0, chw0)
    srcr1 = srcf.reshape(NW, EPW // chw1, chw1)
    dstr1 = dstf.reshape(NW, EPW // chw1, chw1)
    zer0 = jnp.zeros((NP, D0), jnp.float32)
    zer1 = jnp.zeros((NP, D1), jnp.float32)
    zerc = jnp.zeros((NP, CW), jnp.float32)
    ones = jnp.ones((chw0, CW), jnp.float32)
    y0p, r0p = _tc1(
        x, W_pre.T, b_pre.reshape(1, DF), W_l0.T, W_r0.T, b_l0.reshape(1, D0)
    )

    sc0 = _make_sc_segsum(D0, True, chw0)
    acc0, cnt = sc0(y0p, srcr0, dstr0, zer0, zerc, ones)

    y1, r1 = _tc2(acc0, cnt, r0p, W_l1.T, W_r1.T, b_l1.reshape(1, D1))

    sc1 = _make_sc_segsum(D1, False, chw1)
    (acc1,) = sc1(y1, srcr1, dstr1, zer1, zerc, ones)

    return _tc3(acc1, cnt, r1)

# --- scband reference (transcript-rebuilt; emitter-appended) ---
"""Pipeline reference for scband-baseline-gnn-82669530513962 (READ-ONLY COPY).

The authoritative reference and input builder live on the scoring server;
editing this copy changes nothing except your own understanding.
"""

import jax, jax.numpy as jnp
import numpy as np

N_NODES = 10000
N_EDGES = 320000
D_FEAT = 128
LAYERS = [128, 64, 32]


def setup_inputs(seed: int = 0) -> dict:
    key = jax.random.key(seed)
    ks = jax.random.split(key, 12)
    x = jax.random.normal(ks[0], (N_NODES, D_FEAT), dtype=jnp.float32)
    edge_index = jax.random.randint(ks[1], (2, N_EDGES), 0, N_NODES, dtype=jnp.int64 if jax.config.jax_enable_x64 else jnp.int32).astype(jnp.int32)
    # linear_pre: d_feat -> 128
    W_pre = jax.random.normal(ks[2], (LAYERS[0], D_FEAT), dtype=jnp.float32) * (1.0 / np.sqrt(D_FEAT))
    b_pre = jnp.zeros((LAYERS[0],), dtype=jnp.float32)
    # SAGEConv layer 0: 128 -> 64 (lin_l has bias, lin_r has no bias, per torch_geometric)
    W_l0 = jax.random.normal(ks[3], (LAYERS[1], LAYERS[0]), dtype=jnp.float32) * (1.0 / np.sqrt(LAYERS[0]))
    b_l0 = jnp.zeros((LAYERS[1],), dtype=jnp.float32)
    W_r0 = jax.random.normal(ks[4], (LAYERS[1], LAYERS[0]), dtype=jnp.float32) * (1.0 / np.sqrt(LAYERS[0]))
    # SAGEConv layer 1: 64 -> 32
    W_l1 = jax.random.normal(ks[5], (LAYERS[2], LAYERS[1]), dtype=jnp.float32) * (1.0 / np.sqrt(LAYERS[1]))
    b_l1 = jnp.zeros((LAYERS[2],), dtype=jnp.float32)
    W_r1 = jax.random.normal(ks[6], (LAYERS[2], LAYERS[1]), dtype=jnp.float32) * (1.0 / np.sqrt(LAYERS[1]))
    return {"x": x, "edge_index": edge_index, "W_pre": W_pre, "b_pre": b_pre,
            "W_l0": W_l0, "b_l0": b_l0, "W_r0": W_r0,
            "W_l1": W_l1, "b_l1": b_l1, "W_r1": W_r1}


def _sage_conv(x, edge_index, W_l, b_l, W_r, n_nodes):
    # torch_geometric SAGEConv: out = lin_l(mean_{j in N(i)} x_j) + lin_r(x_i)
    src = edge_index[0]
    dst = edge_index[1]
    msgs = jnp.take(x, src, axis=0)  # gather (memory-bound)
    summed = jax.ops.segment_sum(msgs, dst, num_segments=n_nodes)  # scatter-add
    cnt = jax.ops.segment_sum(jnp.ones((edge_index.shape[1],), dtype=x.dtype), dst, num_segments=n_nodes)
    mean = summed / jnp.clip(cnt, 1.0)[:, None]
    return mean @ W_l.T + b_l + x @ W_r.T


def reference(x, edge_index, W_pre, b_pre, W_l0, b_l0, W_r0, W_l1, b_l1, W_r1):
    n = x.shape[0]
    # feature_pre
    embed = x @ W_pre.T + b_pre
    # layer 0 (not last): SAGE + relu (dropout disabled / eval mode)
    embed = _sage_conv(embed, edge_index, W_l0, b_l0, W_r0, n)
    embed = jax.nn.relu(embed)
    # layer 1 (last): SAGE only
    embed = _sage_conv(embed, edge_index, W_l1, b_l1, W_r1, n)
    # task == 'NC' -> log_softmax over dim 1
    embed = jax.nn.log_softmax(embed, axis=1)
    return embed

if __name__ == "__main__":
    import jax
    _d = setup_inputs()
    print(jax.jit(kernel)(*tuple(_d.values())))

</pallas_src>

<mosaic_0001>
#map = affine_map<(d0, d1) -> (0, 0)>
#map1 = affine_map<(d0, d1) -> (0, 0, 0)>
module attributes {stable_mosaic.version = 14 : i64} {
  func.func @body(%arg0: i32, %arg1: i32, %arg2: memref<10240x64xf32, #tpu.memory_space<hbm>>, %arg3: memref<32x40x256xi32, #tpu.memory_space<hbm>>, %arg4: memref<32x40x256xi32, #tpu.memory_space<hbm>>, %arg5: memref<10240x64xf32, #tpu.memory_space<hbm>>, %arg6: memref<10240x16xf32, #tpu.memory_space<hbm>>, %arg7: memref<256x16xf32, #tpu.memory_space<hbm>>, %arg8: memref<2x10240x64xf32, #tpu.memory_space<hbm>>, %arg9: memref<2x10240x16xf32, #tpu.memory_space<hbm>>, %arg10: memref<10240x64xf32, #tpu.memory_space<vmem_shared>>, %arg11: memref<40x256xi32, #tpu.memory_space<vmem>>, %arg12: memref<40x256xi32, #tpu.memory_space<vmem>>, %arg13: memref<256x64xf32, #tpu.memory_space<vmem>>, %arg14: memref<256x64xf32, #tpu.memory_space<vmem>>, %arg15: memref<!tpu.dma_semaphore, #tpu.memory_space<semaphore_mem>>, %arg16: memref<!tpu.dma_semaphore, #tpu.memory_space<semaphore_mem>>, %arg17: memref<!tpu.dma_semaphore, #tpu.memory_space<semaphore_mem>>, %arg18: memref<10240x16xf32, #tpu.memory_space<vmem_shared>>, %arg19: memref<256x16xf32, #tpu.memory_space<vmem>>) attributes {dimension_semantics = [#tpu.dimension_semantics<core_parallel>, #tpu.dimension_semantics<subcore_parallel>], iteration_bounds = array<i64: 2, 16>, scalar_prefetch = 0 : i64, scratch_operands = 10 : i64, tpu.core_type = #tpu.core_type<sc_vector_subcore>, window_params = [{transform_indices = #map}, {transform_indices = #map1}, {transform_indices = #map1}, {transform_indices = #map}, {transform_indices = #map}, {transform_indices = #map}, {transform_indices = #map1}, {transform_indices = #map1}]} {
    %mul3A = arith.constant 16 : i32
    %mul3A_0 = arith.muli %arg0, %mul3A : i32
    %add3A = arith.addi %mul3A_0, %arg1 : i32
    %mul3A_1 = arith.constant 640 : i32
    %mul3A_2 = arith.muli %arg1, %mul3A_1 : i32
    %dma_start3A = arith.constant 0 : i32
    %dma_start3A_3 = tpu.memref_slice %arg10[%mul3A_2, %dma_start3A] : memref<10240x64xf32, #tpu.memory_space<vmem_shared>> -> memref<640x64xf32, #tpu.memory_space<vmem_shared>>
    %dma_start3A_4 = arith.constant 0 : i32
    %dma_start3A_5 = tpu.memref_slice %arg5[%mul3A_2, %dma_start3A_4] : memref<10240x64xf32, #tpu.memory_space<hbm>> -> memref<640x64xf32, #tpu.memory_space<hbm>>
    tpu.enqueue_dma source(%dma_start3A_5 : memref<640x64xf32, #tpu.memory_space<hbm>>) target(%dma_start3A_3 : memref<640x64xf32, #tpu.memory_space<vmem_shared>>) target_semaphore(%arg15 : memref<!tpu.dma_semaphore, #tpu.memory_space<semaphore_mem>>)
    %dma_start3A_6 = arith.constant 0 : i32
    %dma_start3A_7 = arith.constant 0 : i32
    %dma_start3A_8 = tpu.memref_slice %arg3[%add3A, %dma_start3A_6, %dma_start3A_7] : memref<32x40x256xi32, #tpu.memory_space<hbm>> -> memref<1x40x256xi32, #tpu.memory_space<hbm>>
    %dma_start3A_9 = tpu.memref_squeeze %dma_start3A_8 : memref<1x40x256xi32, #tpu.memory_space<hbm>> -> memref<40x256xi32, #tpu.memory_space<hbm>>
    %dma_start3A_10 = arith.constant 0 : i32
    %dma_start3A_11 = arith.constant 0 : i32
    %dma_start3A_12 = tpu.memref_slice %arg3[%add3A, %dma_start3A_10, %dma_start3A_11] : memref<32x40x256xi32, #tpu.memory_space<hbm>> -> memref<1x40x256xi32, #tpu.memory_space<hbm>>
    %dma_start3A_13 = tpu.memref_squeeze %dma_start3A_12 : memref<1x40x256xi32, #tpu.memory_space<hbm>> -> memref<40x256xi32, #tpu.memory_space<hbm>>
    tpu.enqueue_dma source(%dma_start3A_13 : memref<40x256xi32, #tpu.memory_space<hbm>>) target(%arg11 : memref<40x256xi32, #tpu.memory_space<vmem>>) target_semaphore(%arg15 : memref<!tpu.dma_semaphore, #tpu.memory_space<semaphore_mem>>)
    %dma_start3A_14 = arith.constant 0 : i32
    %dma_start3A_15 = arith.constant 0 : i32
    %dma_start3A_16 = tpu.memref_slice %arg4[%add3A, %dma_start3A_14, %dma_start3A_15] : memref<32x40x256xi32, #tpu.memory_space<hbm>> -> memref<1x40x256xi32, #tpu.memory_space<hbm>>
    %dma_start3A_17 = tpu.memref_squeeze %dma_start3A_16 : memref<1x40x256xi32, #tpu.memory_space<hbm>> -> memref<40x256xi32, #tpu.memory_space<hbm>>
    %dma_start3A_18 = arith.constant 0 : i32
    %dma_start3A_19 = arith.constant 0 : i32
    %dma_start3A_20 = tpu.memref_slice %arg4[%add3A, %dma_start3A_18, %dma_start3A_19] : memref<32x40x256xi32, #tpu.memory_space<hbm>> -> memref<1x40x256xi32, #tpu.memory_space<hbm>>
    %dma_start3A_21 = tpu.memref_squeeze %dma_start3A_20 : memref<1x40x256xi32, #tpu.memory_space<hbm>> -> memref<40x256xi32, #tpu.memory_space<hbm>>
    tpu.enqueue_dma source(%dma_start3A_21 : memref<40x256xi32, #tpu.memory_space<hbm>>) target(%arg12 : memref<40x256xi32, #tpu.memory_space<vmem>>) target_semaphore(%arg15 : memref<!tpu.dma_semaphore, #tpu.memory_space<semaphore_mem>>)
    %dma_start3A_22 = arith.constant 0 : i32
    %dma_start3A_23 = tpu.memref_slice %arg18[%mul3A_2, %dma_start3A_22] : memref<10240x16xf32, #tpu.memory_space<vmem_shared>> -> memref<640x16xf32, #tpu.memory_space<vmem_shared>>
    %dma_start3A_24 = arith.constant 0 : i32
    %dma_start3A_25 = tpu.memref_slice %arg6[%mul3A_2, %dma_start3A_24] : memref<10240x16xf32, #tpu.memory_space<hbm>> -> memref<640x16xf32, #tpu.memory_space<hbm>>
    tpu.enqueue_dma source(%dma_start3A_25 : memref<640x16xf32, #tpu.memory_space<hbm>>) target(%dma_start3A_23 : memref<640x16xf32, #tpu.memory_space<vmem_shared>>) target_semaphore(%arg15 : memref<!tpu.dma_semaphore, #tpu.memory_space<semaphore_mem>>)
    tpu.enqueue_dma source(%arg7 : memref<256x16xf32, #tpu.memory_space<hbm>>) target(%arg19 : memref<256x16xf32, #tpu.memory_space<vmem>>) target_semaphore(%arg15 : memref<!tpu.dma_semaphore, #tpu.memory_space<semaphore_mem>>)
    %dma_wait3A = arith.constant 0 : i32
    %dma_wait3A_26 = tpu.memref_slice %arg10[%mul3A_2, %dma_wait3A] : memref<10240x64xf32, #tpu.memory_space<vmem_shared>> -> memref<640x64xf32, #tpu.memory_space<vmem_shared>>
    %dma_wait3A_27 = arith.constant 0 : i32
    %dma_wait3A_28 = tpu.memref_slice %arg5[%mul3A_2, %dma_wait3A_27] : memref<10240x64xf32, #tpu.memory_space<hbm>> -> memref<640x64xf32, #tpu.memory_space<hbm>>
    tpu.wait_dma2 semaphore(%arg15 : memref<!tpu.dma_semaphore, #tpu.memory_space<semaphore_mem>>) src(%dma_wait3A_28 : memref<640x64xf32, #tpu.memory_space<hbm>>) dst(%dma_wait3A_26 : memref<640x64xf32, #tpu.memory_space<vmem_shared>>)
    %dma_wait3A_29 = arith.constant 0 : i32
    %dma_wait3A_30 = arith.constant 0 : i32
    %dma_wait3A_31 = tpu.memref_slice %arg3[%add3A, %dma_wait3A_29, %dma_wait3A_30] : memref<32x40x256xi32, #tpu.memory_space<hbm>> -> memref<1x40x256xi32, #tpu.memory_space<hbm>>
    %dma_wait3A_32 = tpu.memref_squeeze %dma_wait3A_31 : memref<1x40x256xi32, #tpu.memory_space<hbm>> -> memref<40x256xi32, #tpu.memory_space<hbm>>
    %dma_wait3A_33 = arith.constant 0 : i32
    %dma_wait3A_34 = arith.constant 0 : i32
    %dma_wait3A_35 = tpu.memref_slice %arg3[%add3A, %dma_wait3A_33, %dma_wait3A_34] : memref<32x40x256xi32, #tpu.memory_space<hbm>> -> memref<1x40x256xi32, #tpu.memory_space<hbm>>
    %dma_wait3A_36 = tpu.memref_squeeze %dma_wait3A_35 : memref<1x40x256xi32, #tpu.memory_space<hbm>> -> memref<40x256xi32, #tpu.memory_space<hbm>>
    tpu.wait_dma2 semaphore(%arg15 : memref<!tpu.dma_semaphore, #tpu.memory_space<semaphore_mem>>) src(%dma_wait3A_36 : memref<40x256xi32, #tpu.memory_space<hbm>>) dst(%arg11 : memref<40x256xi32, #tpu.memory_space<vmem>>)
    %dma_wait3A_37 = arith.constant 0 : i32
    %dma_wait3A_38 = arith.constant 0 : i32
    %dma_wait3A_39 = tpu.memref_slice %arg4[%add3A, %dma_wait3A_37, %dma_wait3A_38] : memref<32x40x256xi32, #tpu.memory_space<hbm>> -> memref<1x40x256xi32, #tpu.memory_space<hbm>>
    %dma_wait3A_40 = tpu.memref_squeeze %dma_wait3A_39 : memref<1x40x256xi32, #tpu.memory_space<hbm>> -> memref<40x256xi32, #tpu.memory_space<hbm>>
    %dma_wait3A_41 = arith.constant 0 : i32
    %dma_wait3A_42 = arith.constant 0 : i32
    %dma_wait3A_43 = tpu.memref_slice %arg4[%add3A, %dma_wait3A_41, %dma_wait3A_42] : memref<32x40x256xi32, #tpu.memory_space<hbm>> -> memref<1x40x256xi32, #tpu.memory_space<hbm>>
    %dma_wait3A_44 = tpu.memref_squeeze %dma_wait3A_43 : memref<1x40x256xi32, #tpu.memory_space<hbm>> -> memref<40x256xi32, #tpu.memory_space<hbm>>
    tpu.wait_dma2 semaphore(%arg15 : memref<!tpu.dma_semaphore, #tpu.memory_space<semaphore_mem>>) src(%dma_wait3A_44 : memref<40x256xi32, #tpu.memory_space<hbm>>) dst(%arg12 : memref<40x256xi32, #tpu.memory_space<vmem>>)
    %dma_wait3A_45 = arith.constant 0 : i32
    %dma_wait3A_46 = tpu.memref_slice %arg18[%mul3A_2, %dma_wait3A_45] : memref<10240x16xf32, #tpu.memory_space<vmem_shared>> -> memref<640x16xf32, #tpu.memory_space<vmem_shared>>
    %dma_wait3A_47 = arith.constant 0 : i32
    %dma_wait3A_48 = tpu.memref_slice %arg6[%mul3A_2, %dma_wait3A_47] : memref<10240x16xf32, #tpu.memory_space<hbm>> -> memref<640x16xf32, #tpu.memory_space<hbm>>
    tpu.wait_dma2 semaphore(%arg15 : memref<!tpu.dma_semaphore, #tpu.memory_space<semaphore_mem>>) src(%dma_wait3A_48 : memref<640x16xf32, #tpu.memory_space<hbm>>) dst(%dma_wait3A_46 : memref<640x16xf32, #tpu.memory_space<vmem_shared>>)
    tpu.wait_dma2 semaphore(%arg15 : memref<!tpu.dma_semaphore, #tpu.memory_space<semaphore_mem>>) src(%arg7 : memref<256x16xf32, #tpu.memory_space<hbm>>) dst(%arg19 : memref<256x16xf32, #tpu.memory_space<vmem>>)
    %barrier3A = arith.constant 0 : index
    tpu.barrier barrier_id(%barrier3A)
    %dma_start3A_49 = arith.constant 0 : i32
    %dma_start3A_50 = arith.constant 0 : i32
    %dma_start3A_51 = tpu.memref_slice %arg11[%dma_start3A_49, %dma_start3A_50] : memref<40x256xi32, #tpu.memory_space<vmem>> -> memref<1x256xi32, #tpu.memory_space<vmem>>
    %dma_start3A_52 = tpu.memref_squeeze %dma_start3A_51 : memref<1x256xi32, #tpu.memory_space<vmem>> -> memref<256xi32, #tpu.memory_space<vmem>>
    %dma_start3A_53 = arith.constant 0 : i32
    %dma_start3A_54 = arith.constant 0 : i32
    %dma_start3A_55 = tpu.memref_slice %arg2[%dma_start3A_53, %dma_start3A_54] : memref<10240x64xf32, #tpu.memory_space<hbm>> -> memref<10240x64xf32, #tpu.memory_space<hbm>>
    tpu.enqueue_indirect_dma source(%dma_start3A_55 : memref<10240x64xf32, #tpu.memory_space<hbm>>) target(%arg13 : memref<256x64xf32, #tpu.memory_space<vmem>>) offsets(%dma_start3A_52 : memref<256xi32, #tpu.memory_space<vmem>>) semaphore(%arg15 : memref<!tpu.dma_semaphore, #tpu.memory_space<semaphore_mem>>)
    %scan3A = arith.constant 0 : i32
    %scan3A_56 = arith.constant 0 : i32
    %scan3A_57 = arith.constant 20 : i32
    %scan3A_58 = arith.addi %scan3A_56, %scan3A_57 : i32
    %scan3A_59 = arith.constant 1 : i32
    scf.for %scan3A_88 = %scan3A_56 to %scan3A_58 step %scan3A_59  : i32 {
      %mul3A_89 = arith.constant 2 : i32
      %mul3A_90 = arith.muli %mul3A_89, %scan3A_88 : i32
      %add3A_91 = arith.constant 1 : i32
      %add3A_92 = arith.addi %mul3A_90, %add3A_91 : i32
      %dma_start3A_93 = arith.constant 0 : i32
      %dma_start3A_94 = tpu.memref_slice %arg11[%add3A_92, %dma_start3A_93] : memref<40x256xi32, #tpu.memory_space<vmem>> -> memref<1x256xi32, #tpu.memory_space<vmem>>
      %dma_start3A_95 = tpu.memref_squeeze %dma_start3A_94 : memref<1x256xi32, #tpu.memory_space<vmem>> -> memref<256xi32, #tpu.memory_space<vmem>>
      %dma_start3A_96 = arith.constant 0 : i32
      %dma_start3A_97 = arith.constant 0 : i32
      %dma_start3A_98 = tpu.memref_slice %arg2[%dma_start3A_96, %dma_start3A_97] : memref<10240x64xf32, #tpu.memory_space<hbm>> -> memref<10240x64xf32, #tpu.memory_space<hbm>>
      tpu.enqueue_indirect_dma source(%dma_start3A_98 : memref<10240x64xf32, #tpu.memory_space<hbm>>) target(%arg14 : memref<256x64xf32, #tpu.memory_space<vmem>>) offsets(%dma_start3A_95 : memref<256xi32, #tpu.memory_space<vmem>>) semaphore(%arg16 : memref<!tpu.dma_semaphore, #tpu.memory_space<semaphore_mem>>)
      %dma_wait3A_99 = arith.constant 0 : i32
      %dma_wait3A_100 = tpu.memref_slice %arg11[%mul3A_90, %dma_wait3A_99] : memref<40x256xi32, #tpu.memory_space<vmem>> -> memref<1x256xi32, #tpu.memory_space<vmem>>
      %dma_wait3A_101 = tpu.memref_squeeze %dma_wait3A_100 : memref<1x256xi32, #tpu.memory_space<vmem>> -> memref<256xi32, #tpu.memory_space<vmem>>
      %dma_wait3A_102 = arith.constant 0 : i32
      %dma_wait3A_103 = arith.constant 0 : i32
      %dma_wait3A_104 = tpu.memref_slice %arg2[%dma_wait3A_102, %dma_wait3A_103] : memref<10240x64xf32, #tpu.memory_space<hbm>> -> memref<10240x64xf32, #tpu.memory_space<hbm>>
      tpu.wait_indirect_dma semaphore(%arg15 : memref<!tpu.dma_semaphore, #tpu.memory_space<semaphore_mem>>) src(%dma_wait3A_104 : memref<10240x64xf32, #tpu.memory_space<hbm>>) dst(%arg13 : memref<256x64xf32, #tpu.memory_space<vmem>>)
      "tpu.region"() ({
        %run_scoped3A = tpu.sem_alloc : memref<!tpu.dma_semaphore, #tpu.memory_space<semaphore_mem>>
        %dma_start3A_125 = arith.constant 0 : i32
        %dma_start3A_126 = tpu.memref_slice %arg12[%mul3A_90, %dma_start3A_125] : memref<40x256xi32, #tpu.memory_space<vmem>> -> memref<1x256xi32, #tpu.memory_space<vmem>>
        %dma_start3A_127 = tpu.memref_squeeze %dma_start3A_126 : memref<1x256xi32, #tpu.memory_space<vmem>> -> memref<256xi32, #tpu.memory_space<vmem>>
        %dma_start3A_128 = arith.constant 0 : i32
        %dma_start3A_129 = arith.constant 0 : i32
        %dma_start3A_130 = tpu.memref_slice %arg10[%dma_start3A_128, %dma_start3A_129] : memref<10240x64xf32, #tpu.memory_space<vmem_shared>> -> memref<10240x64xf32, #tpu.memory_space<vmem_shared>>
        tpu.enqueue_indirect_dma source(%arg13 : memref<256x64xf32, #tpu.memory_space<vmem>>) target(%dma_start3A_130 : memref<10240x64xf32, #tpu.memory_space<vmem_shared>>) offsets(%dma_start3A_127 : memref<256xi32, #tpu.memory_space<vmem>>) semaphore(%run_scoped3A : memref<!tpu.dma_semaphore, #tpu.memory_space<semaphore_mem>>) {add = true}
        %dma_wait3A_131 = arith.constant 0 : i32
        %dma_wait3A_132 = tpu.memref_slice %arg12[%mul3A_90, %dma_wait3A_131] : memref<40x256xi32, #tpu.memory_space<vmem>> -> memref<1x256xi32, #tpu.memory_space<vmem>>
        %dma_wait3A_133 = tpu.memref_squeeze %dma_wait3A_132 : memref<1x256xi32, #tpu.memory_space<vmem>> -> memref<256xi32, #tpu.memory_space<vmem>>
        %dma_wait3A_134 = arith.constant 0 : i32
        %dma_wait3A_135 = arith.constant 0 : i32
        %dma_wait3A_136 = tpu.memref_slice %arg10[%dma_wait3A_134, %dma_wait3A_135] : memref<10240x64xf32, #tpu.memory_space<vmem_shared>> -> memref<10240x64xf32, #tpu.memory_space<vmem_shared>>
        tpu.wait_indirect_dma semaphore(%run_scoped3A : memref<!tpu.dma_semaphore, #tpu.memory_space<semaphore_mem>>) src(%arg13 : memref<256x64xf32, #tpu.memory_space<vmem>>) dst(%dma_wait3A_136 : memref<10240x64xf32, #tpu.memory_space<vmem_shared>>)
        tpu.yield
      }) : () -> ()
      %dma_start3A_105 = arith.constant 0 : i32
      %dma_start3A_106 = tpu.memref_slice %arg12[%mul3A_90, %dma_start3A_105] : memref<40x256xi32, #tpu.memory_space<vmem>> -> memref<1x256xi32, #tpu.memory_space<vmem>>
      %dma_start3A_107 = tpu.memref_squeeze %dma_start3A_106 : memref<1x256xi32, #tpu.memory_space<vmem>> -> memref<256xi32, #tpu.memory_space<vmem>>
      %dma_start3A_108 = arith.constant 0 : i32
      %dma_start3A_109 = arith.constant 0 : i32
      %dma_start3A_110 = tpu.memref_slice %arg18[%dma_start3A_108, %dma_start3A_109] : memref<10240x16xf32, #tpu.memory_space<vmem_shared>> -> memref<10240x16xf32, #tpu.memory_space<vmem_shared>>
      tpu.enqueue_indirect_dma source(%arg19 : memref<256x16xf32, #tpu.memory_space<vmem>>) target(%dma_start3A_110 : memref<10240x16xf32, #tpu.memory_space<vmem_shared>>) offsets(%dma_start3A_107 : memref<256xi32, #tpu.memory_space<vmem>>) semaphore(%arg17 : memref<!tpu.dma_semaphore, #tpu.memory_space<semaphore_mem>>) {add = true}
      %lt3A = arith.constant 19 : i32
      %lt3A_111 = arith.cmpi slt, %scan3A_88, %lt3A : i32
      %convert_element_type3A = arith.extui %lt3A_111 : i1 to i32
      %cond3A = arith.constant 0 : i32
      %cond3A_112 = arith.cmpi ne, %convert_element_type3A, %cond3A : i32
      scf.if %cond3A_112 {
        %add3A_125 = arith.constant 2 : i32
        %add3A_126 = arith.addi %mul3A_90, %add3A_125 : i32
        %dma_start3A_127 = arith.constant 0 : i32
        %dma_start3A_128 = tpu.memref_slice %arg11[%add3A_126, %dma_start3A_127] : memref<40x256xi32, #tpu.memory_space<vmem>> -> memref<1x256xi32, #tpu.memory_space<vmem>>
        %dma_start3A_129 = tpu.memref_squeeze %dma_start3A_128 : memref<1x256xi32, #tpu.memory_space<vmem>> -> memref<256xi32, #tpu.memory_space<vmem>>
        %dma_start3A_130 = arith.constant 0 : i32
        %dma_start3A_131 = arith.constant 0 : i32
        %dma_start3A_132 = tpu.memref_slice %arg2[%dma_start3A_130, %dma_start3A_131] : memref<10240x64xf32, #tpu.memory_space<hbm>> -> memref<10240x64xf32, #tpu.memory_space<hbm>>
        tpu.enqueue_indirect_dma source(%dma_start3A_132 : memref<10240x64xf32, #tpu.memory_space<hbm>>) target(%arg13 : memref<256x64xf32, #tpu.memory_space<vmem>>) offsets(%dma_start3A_129 : memref<256xi32, #tpu.memory_space<vmem>>) semaphore(%arg15 : memref<!tpu.dma_semaphore, #tpu.memory_space<semaphore_mem>>)
      } else {
      }
      %dma_wait3A_113 = arith.constant 0 : i32
      %dma_wait3A_114 = tpu.memref_slice %arg11[%add3A_92, %dma_wait3A_113] : memref<40x256xi32, #tpu.memory_space<vmem>> -> memref<1x256xi32, #tpu.memory_space<vmem>>
      %dma_wait3A_115 = tpu.memref_squeeze %dma_wait3A_114 : memref<1x256xi32, #tpu.memory_space<vmem>> -> memref<256xi32, #tpu.memory_space<vmem>>
      %dma_wait3A_116 = arith.constant 0 : i32
      %dma_wait3A_117 = arith.constant 0 : i32
      %dma_wait3A_118 = tpu.memref_slice %arg2[%dma_wait3A_116, %dma_wait3A_117] : memref<10240x64xf32, #tpu.memory_space<hbm>> -> memref<10240x64xf32, #tpu.memory_space<hbm>>
      tpu.wait_indirect_dma semaphore(%arg16 : memref<!tpu.dma_semaphore, #tpu.memory_space<semaphore_mem>>) src(%dma_wait3A_118 : memref<10240x64xf32, #tpu.memory_space<hbm>>) dst(%arg14 : memref<256x64xf32, #tpu.memory_space<vmem>>)
      "tpu.region"() ({
        %run_scoped3A = tpu.sem_alloc : memref<!tpu.dma_semaphore, #tpu.memory_space<semaphore_mem>>
        %dma_start3A_125 = arith.constant 0 : i32
        %dma_start3A_126 = tpu.memref_slice %arg12[%add3A_92, %dma_start3A_125] : memref<40x256xi32, #tpu.memory_space<vmem>> -> memref<1x256xi32, #tpu.memory_space<vmem>>
        %dma_start3A_127 = tpu.memref_squeeze %dma_start3A_126 : memref<1x256xi32, #tpu.memory_space<vmem>> -> memref<256xi32, #tpu.memory_space<vmem>>
        %dma_start3A_128 = arith.constant 0 : i32
        %dma_start3A_129 = arith.constant 0 : i32
        %dma_start3A_130 = tpu.memref_slice %arg10[%dma_start3A_128, %dma_start3A_129] : memref<10240x64xf32, #tpu.memory_space<vmem_shared>> -> memref<10240x64xf32, #tpu.memory_space<vmem_shared>>
        tpu.enqueue_indirect_dma source(%arg14 : memref<256x64xf32, #tpu.memory_space<vmem>>) target(%dma_start3A_130 : memref<10240x64xf32, #tpu.memory_space<vmem_shared>>) offsets(%dma_start3A_127 : memref<256xi32, #tpu.memory_space<vmem>>) semaphore(%run_scoped3A : memref<!tpu.dma_semaphore, #tpu.memory_space<semaphore_mem>>) {add = true}
        %dma_wait3A_131 = arith.constant 0 : i32
        %dma_wait3A_132 = tpu.memref_slice %arg12[%add3A_92, %dma_wait3A_131] : memref<40x256xi32, #tpu.memory_space<vmem>> -> memref<1x256xi32, #tpu.memory_space<vmem>>
        %dma_wait3A_133 = tpu.memref_squeeze %dma_wait3A_132 : memref<1x256xi32, #tpu.memory_space<vmem>> -> memref<256xi32, #tpu.memory_space<vmem>>
        %dma_wait3A_134 = arith.constant 0 : i32
        %dma_wait3A_135 = arith.constant 0 : i32
        %dma_wait3A_136 = tpu.memref_slice %arg10[%dma_wait3A_134, %dma_wait3A_135] : memref<10240x64xf32, #tpu.memory_space<vmem_shared>> -> memref<10240x64xf32, #tpu.memory_space<vmem_shared>>
        tpu.wait_indirect_dma semaphore(%run_scoped3A : memref<!tpu.dma_semaphore, #tpu.memory_space<semaphore_mem>>) src(%arg14 : memref<256x64xf32, #tpu.memory_space<vmem>>) dst(%dma_wait3A_136 : memref<10240x64xf32, #tpu.memory_space<vmem_shared>>)
        tpu.yield
      }) : () -> ()
      %dma_start3A_119 = arith.constant 0 : i32
      %dma_start3A_120 = tpu.memref_slice %arg12[%add3A_92, %dma_start3A_119] : memref<40x256xi32, #tpu.memory_space<vmem>> -> memref<1x256xi32, #tpu.memory_space<vmem>>
      %dma_start3A_121 = tpu.memref_squeeze %dma_start3A_120 : memref<1x256xi32, #tpu.memory_space<vmem>> -> memref<256xi32, #tpu.memory_space<vmem>>
      %dma_start3A_122 = arith.constant 0 : i32
      %dma_start3A_123 = arith.constant 0 : i32
      %dma_start3A_124 = tpu.memref_slice %arg18[%dma_start3A_122, %dma_start3A_123] : memref<10240x16xf32, #tpu.memory_space<vmem_shared>> -> memref<10240x16xf32, #tpu.memory_space<vmem_shared>>
      tpu.enqueue_indirect_dma source(%arg19 : memref<256x16xf32, #tpu.memory_space<vmem>>) target(%dma_start3A_124 : memref<10240x16xf32, #tpu.memory_space<vmem_shared>>) offsets(%dma_start3A_121 : memref<256xi32, #tpu.memory_space<vmem>>) semaphore(%arg17 : memref<!tpu.dma_semaphore, #tpu.memory_space<semaphore_mem>>) {add = true}
    }
    %scan3A_60 = arith.constant 20 : i32
    %scan3A_61 = arith.constant 0 : i32
    %scan3A_62 = arith.constant 0 : i32
    %scan3A_63 = arith.constant 40 : i32
    %scan3A_64 = arith.addi %scan3A_62, %scan3A_63 : i32
    %scan3A_65 = arith.constant 1 : i32
    scf.for %scan3A_88 = %scan3A_62 to %scan3A_64 step %scan3A_65  : i32 {
      %dma_wait3A_89 = arith.constant 0 : i32
      %dma_wait3A_90 = tpu.memref_slice %arg12[%scan3A_88, %dma_wait3A_89] : memref<40x256xi32, #tpu.memory_space<vmem>> -> memref<1x256xi32, #tpu.memory_space<vmem>>
      %dma_wait3A_91 = tpu.memref_squeeze %dma_wait3A_90 : memref<1x256xi32, #tpu.memory_space<vmem>> -> memref<256xi32, #tpu.memory_space<vmem>>
      %dma_wait3A_92 = arith.constant 0 : i32
      %dma_wait3A_93 = arith.constant 0 : i32
      %dma_wait3A_94 = tpu.memref_slice %arg18[%dma_wait3A_92, %dma_wait3A_93] : memref<10240x16xf32, #tpu.memory_space<vmem_shared>> -> memref<10240x16xf32, #tpu.memory_space<vmem_shared>>
      tpu.wait_indirect_dma semaphore(%arg17 : memref<!tpu.dma_semaphore, #tpu.memory_space<semaphore_mem>>) src(%arg19 : memref<256x16xf32, #tpu.memory_space<vmem>>) dst(%dma_wait3A_94 : memref<10240x16xf32, #tpu.memory_space<vmem_shared>>)
    }
    %scan3A_66 = arith.constant 40 : i32
    %barrier3A_67 = arith.constant 0 : index
    tpu.barrier barrier_id(%barrier3A_67)
    %dma_start3A_68 = arith.constant 0 : i32
    %dma_start3A_69 = tpu.memref_slice %arg8[%arg0, %mul3A_2, %dma_start3A_68] : memref<2x10240x64xf32, #tpu.memory_space<hbm>> -> memref<1x640x64xf32, #tpu.memory_space<hbm>>
    %dma_start3A_70 = tpu.memref_squeeze %dma_start3A_69 : memref<1x640x64xf32, #tpu.memory_space<hbm>> -> memref<640x64xf32, #tpu.memory_space<hbm>>
    %dma_start3A_71 = arith.constant 0 : i32
    %dma_start3A_72 = tpu.memref_slice %arg10[%mul3A_2, %dma_start3A_71] : memref<10240x64xf32, #tpu.memory_space<vmem_shared>> -> memref<640x64xf32, #tpu.memory_space<vmem_shared>>
    tpu.enqueue_dma source(%dma_start3A_72 : memref<640x64xf32, #tpu.memory_space<vmem_shared>>) target(%dma_start3A_70 : memref<640x64xf32, #tpu.memory_space<hbm>>) target_semaphore(%arg15 : memref<!tpu.dma_semaphore, #tpu.memory_space<semaphore_mem>>)
    %dma_start3A_73 = arith.constant 0 : i32
    %dma_start3A_74 = tpu.memref_slice %arg9[%arg0, %mul3A_2, %dma_start3A_73] : memref<2x10240x16xf32, #tpu.memory_space<hbm>> -> memref<1x640x16xf32, #tpu.memory_space<hbm>>
    %dma_start3A_75 = tpu.memref_squeeze %dma_start3A_74 : memref<1x640x16xf32, #tpu.memory_space<hbm>> -> memref<640x16xf32, #tpu.memory_space<hbm>>
    %dma_start3A_76 = arith.constant 0 : i32
    %dma_start3A_77 = tpu.memref_slice %arg18[%mul3A_2, %dma_start3A_76] : memref<10240x16xf32, #tpu.memory_space<vmem_shared>> -> memref<640x16xf32, #tpu.memory_space<vmem_shared>>
    tpu.enqueue_dma source(%dma_start3A_77 : memref<640x16xf32, #tpu.memory_space<vmem_shared>>) target(%dma_start3A_75 : memref<640x16xf32, #tpu.memory_space<hbm>>) target_semaphore(%arg15 : memref<!tpu.dma_semaphore, #tpu.memory_space<semaphore_mem>>)
    %dma_wait3A_78 = arith.constant 0 : i32
    %dma_wait3A_79 = tpu.memref_slice %arg8[%arg0, %mul3A_2, %dma_wait3A_78] : memref<2x10240x64xf32, #tpu.memory_space<hbm>> -> memref<1x640x64xf32, #tpu.memory_space<hbm>>
    %dma_wait3A_80 = tpu.memref_squeeze %dma_wait3A_79 : memref<1x640x64xf32, #tpu.memory_space<hbm>> -> memref<640x64xf32, #tpu.memory_space<hbm>>
    %dma_wait3A_81 = arith.constant 0 : i32
    %dma_wait3A_82 = tpu.memref_slice %arg10[%mul3A_2, %dma_wait3A_81] : memref<10240x64xf32, #tpu.memory_space<vmem_shared>> -> memref<640x64xf32, #tpu.memory_space<vmem_shared>>
    tpu.wait_dma2 semaphore(%arg15 : memref<!tpu.dma_semaphore, #tpu.memory_space<semaphore_mem>>) src(%dma_wait3A_82 : memref<640x64xf32, #tpu.memory_space<vmem_shared>>) dst(%dma_wait3A_80 : memref<640x64xf32, #tpu.memory_space<hbm>>)
    %dma_wait3A_83 = arith.constant 0 : i32
    %dma_wait3A_84 = tpu.memref_slice %arg9[%arg0, %mul3A_2, %dma_wait3A_83] : memref<2x10240x16xf32, #tpu.memory_space<hbm>> -> memref<1x640x16xf32, #tpu.memory_space<hbm>>
    %dma_wait3A_85 = tpu.memref_squeeze %dma_wait3A_84 : memref<1x640x16xf32, #tpu.memory_space<hbm>> -> memref<640x16xf32, #tpu.memory_space<hbm>>
    %dma_wait3A_86 = arith.constant 0 : i32
    %dma_wait3A_87 = tpu.memref_slice %arg18[%mul3A_2, %dma_wait3A_86] : memref<10240x16xf32, #tpu.memory_space<vmem_shared>> -> memref<640x16xf32, #tpu.memory_space<vmem_shared>>
    tpu.wait_dma2 semaphore(%arg15 : memref<!tpu.dma_semaphore, #tpu.memory_space<semaphore_mem>>) src(%dma_wait3A_87 : memref<640x16xf32, #tpu.memory_space<vmem_shared>>) dst(%dma_wait3A_85 : memref<640x16xf32, #tpu.memory_space<hbm>>)
    return
  }
}

#map = affine_map<(d0, d1) -> (0, 0)>
#map1 = affine_map<(d0, d1) -> (0, 0, 0)>
module attributes {stable_mosaic.version = 14 : i64} {
  func.func @body(%arg0: i32, %arg1: i32, %arg2: memref<10240x32xf32, #tpu.memory_space<hbm>>, %arg3: memref<32x10x1024xi32, #tpu.memory_space<hbm>>, %arg4: memref<32x10x1024xi32, #tpu.memory_space<hbm>>, %arg5: memref<10240x32xf32, #tpu.memory_space<hbm>>, %arg6: memref<10240x16xf32, #tpu.memory_space<hbm>>, %arg7: memref<256x16xf32, #tpu.memory_space<hbm>>, %arg8: memref<2x10240x32xf32, #tpu.memory_space<hbm>>, %arg9: memref<10240x32xf32, #tpu.memory_space<vmem_shared>>, %arg10: memref<10x1024xi32, #tpu.memory_space<vmem>>, %arg11: memref<10x1024xi32, #tpu.memory_space<vmem>>, %arg12: memref<1024x32xf32, #tpu.memory_space<vmem>>, %arg13: memref<1024x32xf32, #tpu.memory_space<vmem>>, %arg14: memref<!tpu.dma_semaphore, #tpu.memory_space<semaphore_mem>>, %arg15: memref<!tpu.dma_semaphore, #tpu.memory_space<semaphore_mem>>, %arg16: memref<!tpu.dma_semaphore, #tpu.memory_space<semaphore_mem>>) attributes {dimension_semantics = [#tpu.dimension_semantics<core_parallel>, #tpu.dimension_semantics<subcore_parallel>], iteration_bounds = array<i64: 2, 16>, scalar_prefetch = 0 : i64, scratch_operands = 8 : i64, tpu.core_type = #tpu.core_type<sc_vector_subcore>, window_params = [{transform_indices = #map}, {transform_indices = #map1}, {transform_indices = #map1}, {transform_indices = #map}, {transform_indices = #map}, {transform_indices = #map}, {transform_indices = #map1}]} {
    %mul3A = arith.constant 16 : i32
    %mul3A_0 = arith.muli %arg0, %mul3A : i32
    %add3A = arith.addi %mul3A_0, %arg1 : i32
    %mul3A_1 = arith.constant 640 : i32
    %mul3A_2 = arith.muli %arg1, %mul3A_1 : i32
    %dma_start3A = arith.constant 0 : i32
    %dma_start3A_3 = tpu.memref_slice %arg9[%mul3A_2, %dma_start3A] : memref<10240x32xf32, #tpu.memory_space<vmem_shared>> -> memref<640x32xf32, #tpu.memory_space<vmem_shared>>
    %dma_start3A_4 = arith.constant 0 : i32
    %dma_start3A_5 = tpu.memref_slice %arg5[%mul3A_2, %dma_start3A_4] : memref<10240x32xf32, #tpu.memory_space<hbm>> -> memref<640x32xf32, #tpu.memory_space<hbm>>
    tpu.enqueue_dma source(%dma_start3A_5 : memref<640x32xf32, #tpu.memory_space<hbm>>) target(%dma_start3A_3 : memref<640x32xf32, #tpu.memory_space<vmem_shared>>) target_semaphore(%arg14 : memref<!tpu.dma_semaphore, #tpu.memory_space<semaphore_mem>>)
    %dma_start3A_6 = arith.constant 0 : i32
    %dma_start3A_7 = arith.constant 0 : i32
    %dma_start3A_8 = tpu.memref_slice %arg3[%add3A, %dma_start3A_6, %dma_start3A_7] : memref<32x10x1024xi32, #tpu.memory_space<hbm>> -> memref<1x10x1024xi32, #tpu.memory_space<hbm>>
    %dma_start3A_9 = tpu.memref_squeeze %dma_start3A_8 : memref<1x10x1024xi32, #tpu.memory_space<hbm>> -> memref<10x1024xi32, #tpu.memory_space<hbm>>
    %dma_start3A_10 = arith.constant 0 : i32
    %dma_start3A_11 = arith.constant 0 : i32
    %dma_start3A_12 = tpu.memref_slice %arg3[%add3A, %dma_start3A_10, %dma_start3A_11] : memref<32x10x1024xi32, #tpu.memory_space<hbm>> -> memref<1x10x1024xi32, #tpu.memory_space<hbm>>
    %dma_start3A_13 = tpu.memref_squeeze %dma_start3A_12 : memref<1x10x1024xi32, #tpu.memory_space<hbm>> -> memref<10x1024xi32, #tpu.memory_space<hbm>>
    tpu.enqueue_dma source(%dma_start3A_13 : memref<10x1024xi32, #tpu.memory_space<hbm>>) target(%arg10 : memref<10x1024xi32, #tpu.memory_space<vmem>>) target_semaphore(%arg14 : memref<!tpu.dma_semaphore, #tpu.memory_space<semaphore_mem>>)
    %dma_start3A_14 = arith.constant 0 : i32
    %dma_start3A_15 = arith.constant 0 : i32
    %dma_start3A_16 = tpu.memref_slice %arg4[%add3A, %dma_start3A_14, %dma_start3A_15] : memref<32x10x1024xi32, #tpu.memory_space<hbm>> -> memref<1x10x1024xi32, #tpu.memory_space<hbm>>
    %dma_start3A_17 = tpu.memref_squeeze %dma_start3A_16 : memref<1x10x1024xi32, #tpu.memory_space<hbm>> -> memref<10x1024xi32, #tpu.memory_space<hbm>>
    %dma_start3A_18 = arith.constant 0 : i32
    %dma_start3A_19 = arith.constant 0 : i32
    %dma_start3A_20 = tpu.memref_slice %arg4[%add3A, %dma_start3A_18, %dma_start3A_19] : memref<32x10x1024xi32, #tpu.memory_space<hbm>> -> memref<1x10x1024xi32, #tpu.memory_space<hbm>>
    %dma_start3A_21 = tpu.memref_squeeze %dma_start3A_20 : memref<1x10x1024xi32, #tpu.memory_space<hbm>> -> memref<10x1024xi32, #tpu.memory_space<hbm>>
    tpu.enqueue_dma source(%dma_start3A_21 : memref<10x1024xi32, #tpu.memory_space<hbm>>) target(%arg11 : memref<10x1024xi32, #tpu.memory_space<vmem>>) target_semaphore(%arg14 : memref<!tpu.dma_semaphore, #tpu.memory_space<semaphore_mem>>)
    %dma_wait3A = arith.constant 0 : i32
    %dma_wait3A_22 = tpu.memref_slice %arg9[%mul3A_2, %dma_wait3A] : memref<10240x32xf32, #tpu.memory_space<vmem_shared>> -> memref<640x32xf32, #tpu.memory_space<vmem_shared>>
    %dma_wait3A_23 = arith.constant 0 : i32
    %dma_wait3A_24 = tpu.memref_slice %arg5[%mul3A_2, %dma_wait3A_23] : memref<10240x32xf32, #tpu.memory_space<hbm>> -> memref<640x32xf32, #tpu.memory_space<hbm>>
    tpu.wait_dma2 semaphore(%arg14 : memref<!tpu.dma_semaphore, #tpu.memory_space<semaphore_mem>>) src(%dma_wait3A_24 : memref<640x32xf32, #tpu.memory_space<hbm>>) dst(%dma_wait3A_22 : memref<640x32xf32, #tpu.memory_space<vmem_shared>>)
    %dma_wait3A_25 = arith.constant 0 : i32
    %dma_wait3A_26 = arith.constant 0 : i32
    %dma_wait3A_27 = tpu.memref_slice %arg3[%add3A, %dma_wait3A_25, %dma_wait3A_26] : memref<32x10x1024xi32, #tpu.memory_space<hbm>> -> memref<1x10x1024xi32, #tpu.memory_space<hbm>>
    %dma_wait3A_28 = tpu.memref_squeeze %dma_wait3A_27 : memref<1x10x1024xi32, #tpu.memory_space<hbm>> -> memref<10x1024xi32, #tpu.memory_space<hbm>>
    %dma_wait3A_29 = arith.constant 0 : i32
    %dma_wait3A_30 = arith.constant 0 : i32
    %dma_wait3A_31 = tpu.memref_slice %arg3[%add3A, %dma_wait3A_29, %dma_wait3A_30] : memref<32x10x1024xi32, #tpu.memory_space<hbm>> -> memref<1x10x1024xi32, #tpu.memory_space<hbm>>
    %dma_wait3A_32 = tpu.memref_squeeze %dma_wait3A_31 : memref<1x10x1024xi32, #tpu.memory_space<hbm>> -> memref<10x1024xi32, #tpu.memory_space<hbm>>
    tpu.wait_dma2 semaphore(%arg14 : memref<!tpu.dma_semaphore, #tpu.memory_space<semaphore_mem>>) src(%dma_wait3A_32 : memref<10x1024xi32, #tpu.memory_space<hbm>>) dst(%arg10 : memref<10x1024xi32, #tpu.memory_space<vmem>>)
    %dma_wait3A_33 = arith.constant 0 : i32
    %dma_wait3A_34 = arith.constant 0 : i32
    %dma_wait3A_35 = tpu.memref_slice %arg4[%add3A, %dma_wait3A_33, %dma_wait3A_34] : memref<32x10x1024xi32, #tpu.memory_space<hbm>> -> memref<1x10x1024xi32, #tpu.memory_space<hbm>>
    %dma_wait3A_36 = tpu.memref_squeeze %dma_wait3A_35 : memref<1x10x1024xi32, #tpu.memory_space<hbm>> -> memref<10x1024xi32, #tpu.memory_space<hbm>>
    %dma_wait3A_37 = arith.constant 0 : i32
    %dma_wait3A_38 = arith.constant 0 : i32
    %dma_wait3A_39 = tpu.memref_slice %arg4[%add3A, %dma_wait3A_37, %dma_wait3A_38] : memref<32x10x1024xi32, #tpu.memory_space<hbm>> -> memref<1x10x1024xi32, #tpu.memory_space<hbm>>
    %dma_wait3A_40 = tpu.memref_squeeze %dma_wait3A_39 : memref<1x10x1024xi32, #tpu.memory_space<hbm>> -> memref<10x1024xi32, #tpu.memory_space<hbm>>
    tpu.wait_dma2 semaphore(%arg14 : memref<!tpu.dma_semaphore, #tpu.memory_space<semaphore_mem>>) src(%dma_wait3A_40 : memref<10x1024xi32, #tpu.memory_space<hbm>>) dst(%arg11 : memref<10x1024xi32, #tpu.memory_space<vmem>>)
    %barrier3A = arith.constant 0 : index
    tpu.barrier barrier_id(%barrier3A)
    %dma_start3A_41 = arith.constant 0 : i32
    %dma_start3A_42 = arith.constant 0 : i32
    %dma_start3A_43 = tpu.memref_slice %arg10[%dma_start3A_41, %dma_start3A_42] : memref<10x1024xi32, #tpu.memory_space<vmem>> -> memref<1x1024xi32, #tpu.memory_space<vmem>>
    %dma_start3A_44 = tpu.memref_squeeze %dma_start3A_43 : memref<1x1024xi32, #tpu.memory_space<vmem>> -> memref<1024xi32, #tpu.memory_space<vmem>>
    %dma_start3A_45 = arith.constant 0 : i32
    %dma_start3A_46 = arith.constant 0 : i32
    %dma_start3A_47 = tpu.memref_slice %arg2[%dma_start3A_45, %dma_start3A_46] : memref<10240x32xf32, #tpu.memory_space<hbm>> -> memref<10240x32xf32, #tpu.memory_space<hbm>>
    tpu.enqueue_indirect_dma source(%dma_start3A_47 : memref<10240x32xf32, #tpu.memory_space<hbm>>) target(%arg12 : memref<1024x32xf32, #tpu.memory_space<vmem>>) offsets(%dma_start3A_44 : memref<1024xi32, #tpu.memory_space<vmem>>) semaphore(%arg14 : memref<!tpu.dma_semaphore, #tpu.memory_space<semaphore_mem>>)
    %scan3A = arith.constant 0 : i32
    %scan3A_48 = arith.constant 0 : i32
    %scan3A_49 = arith.constant 5 : i32
    %scan3A_50 = arith.addi %scan3A_48, %scan3A_49 : i32
    %scan3A_51 = arith.constant 1 : i32
    scf.for %scan3A_64 = %scan3A_48 to %scan3A_50 step %scan3A_51  : i32 {
      %mul3A_65 = arith.constant 2 : i32
      %mul3A_66 = arith.muli %mul3A_65, %scan3A_64 : i32
      %add3A_67 = arith.constant 1 : i32
      %add3A_68 = arith.addi %mul3A_66, %add3A_67 : i32
      %dma_start3A_69 = arith.constant 0 : i32
      %dma_start3A_70 = tpu.memref_slice %arg10[%add3A_68, %dma_start3A_69] : memref<10x1024xi32, #tpu.memory_space<vmem>> -> memref<1x1024xi32, #tpu.memory_space<vmem>>
      %dma_start3A_71 = tpu.memref_squeeze %dma_start3A_70 : memref<1x1024xi32, #tpu.memory_space<vmem>> -> memref<1024xi32, #tpu.memory_space<vmem>>
      %dma_start3A_72 = arith.constant 0 : i32
      %dma_start3A_73 = arith.constant 0 : i32
      %dma_start3A_74 = tpu.memref_slice %arg2[%dma_start3A_72, %dma_start3A_73] : memref<10240x32xf32, #tpu.memory_space<hbm>> -> memref<10240x32xf32, #tpu.memory_space<hbm>>
      tpu.enqueue_indirect_dma source(%dma_start3A_74 : memref<10240x32xf32, #tpu.memory_space<hbm>>) target(%arg13 : memref<1024x32xf32, #tpu.memory_space<vmem>>) offsets(%dma_start3A_71 : memref<1024xi32, #tpu.memory_space<vmem>>) semaphore(%arg15 : memref<!tpu.dma_semaphore, #tpu.memory_space<semaphore_mem>>)
      %dma_wait3A_75 = arith.constant 0 : i32
      %dma_wait3A_76 = tpu.memref_slice %arg10[%mul3A_66, %dma_wait3A_75] : memref<10x1024xi32, #tpu.memory_space<vmem>> -> memref<1x1024xi32, #tpu.memory_space<vmem>>
      %dma_wait3A_77 = tpu.memref_squeeze %dma_wait3A_76 : memref<1x1024xi32, #tpu.memory_space<vmem>> -> memref<1024xi32, #tpu.memory_space<vmem>>
      %dma_wait3A_78 = arith.constant 0 : i32
      %dma_wait3A_79 = arith.constant 0 : i32
      %dma_wait3A_80 = tpu.memref_slice %arg2[%dma_wait3A_78, %dma_wait3A_79] : memref<10240x32xf32, #tpu.memory_space<hbm>> -> memref<10240x32xf32, #tpu.memory_space<hbm>>
      tpu.wait_indirect_dma semaphore(%arg14 : memref<!tpu.dma_semaphore, #tpu.memory_space<semaphore_mem>>) src(%dma_wait3A_80 : memref<10240x32xf32, #tpu.memory_space<hbm>>) dst(%arg12 : memref<1024x32xf32, #tpu.memory_space<vmem>>)
      "tpu.region"() ({
        %run_scoped3A = tpu.sem_alloc : memref<!tpu.dma_semaphore, #tpu.memory_space<semaphore_mem>>
        %dma_start3A_89 = arith.constant 0 : i32
        %dma_start3A_90 = tpu.memref_slice %arg11[%mul3A_66, %dma_start3A_89] : memref<10x1024xi32, #tpu.memory_space<vmem>> -> memref<1x1024xi32, #tpu.memory_space<vmem>>
        %dma_start3A_91 = tpu.memref_squeeze %dma_start3A_90 : memref<1x1024xi32, #tpu.memory_space<vmem>> -> memref<1024xi32, #tpu.memory_space<vmem>>
        %dma_start3A_92 = arith.constant 0 : i32
        %dma_start3A_93 = arith.constant 0 : i32
        %dma_start3A_94 = tpu.memref_slice %arg9[%dma_start3A_92, %dma_start3A_93] : memref<10240x32xf32, #tpu.memory_space<vmem_shared>> -> memref<10240x32xf32, #tpu.memory_space<vmem_shared>>
        tpu.enqueue_indirect_dma source(%arg12 : memref<1024x32xf32, #tpu.memory_space<vmem>>) target(%dma_start3A_94 : memref<10240x32xf32, #tpu.memory_space<vmem_shared>>) offsets(%dma_start3A_91 : memref<1024xi32, #tpu.memory_space<vmem>>) semaphore(%run_scoped3A : memref<!tpu.dma_semaphore, #tpu.memory_space<semaphore_mem>>) {add = true}
        %dma_wait3A_95 = arith.constant 0 : i32
        %dma_wait3A_96 = tpu.memref_slice %arg11[%mul3A_66, %dma_wait3A_95] : memref<10x1024xi32, #tpu.memory_space<vmem>> -> memref<1x1024xi32, #tpu.memory_space<vmem>>
        %dma_wait3A_97 = tpu.memref_squeeze %dma_wait3A_96 : memref<1x1024xi32, #tpu.memory_space<vmem>> -> memref<1024xi32, #tpu.memory_space<vmem>>
        %dma_wait3A_98 = arith.constant 0 : i32
        %dma_wait3A_99 = arith.constant 0 : i32
        %dma_wait3A_100 = tpu.memref_slice %arg9[%dma_wait3A_98, %dma_wait3A_99] : memref<10240x32xf32, #tpu.memory_space<vmem_shared>> -> memref<10240x32xf32, #tpu.memory_space<vmem_shared>>
        tpu.wait_indirect_dma semaphore(%run_scoped3A : memref<!tpu.dma_semaphore, #tpu.memory_space<semaphore_mem>>) src(%arg12 : memref<1024x32xf32, #tpu.memory_space<vmem>>) dst(%dma_wait3A_100 : memref<10240x32xf32, #tpu.memory_space<vmem_shared>>)
        tpu.yield
      }) : () -> ()
      %lt3A = arith.constant 4 : i32
      %lt3A_81 = arith.cmpi slt, %scan3A_64, %lt3A : i32
      %convert_element_type3A = arith.extui %lt3A_81 : i1 to i32
      %cond3A = arith.constant 0 : i32
      %cond3A_82 = arith.cmpi ne, %convert_element_type3A, %cond3A : i32
      scf.if %cond3A_82 {
        %add3A_89 = arith.constant 2 : i32
        %add3A_90 = arith.addi %mul3A_66, %add3A_89 : i32
        %dma_start3A_91 = arith.constant 0 : i32
        %dma_start3A_92 = tpu.memref_slice %arg10[%add3A_90, %dma_start3A_91] : memref<10x1024xi32, #tpu.memory_space<vmem>> -> memref<1x1024xi32, #tpu.memory_space<vmem>>
        %dma_start3A_93 = tpu.memref_squeeze %dma_start3A_92 : memref<1x1024xi32, #tpu.memory_space<vmem>> -> memref<1024xi32, #tpu.memory_space<vmem>>
        %dma_start3A_94 = arith.constant 0 : i32
        %dma_start3A_95 = arith.constant 0 : i32
        %dma_start3A_96 = tpu.memref_slice %arg2[%dma_start3A_94, %dma_start3A_95] : memref<10240x32xf32, #tpu.memory_space<hbm>> -> memref<10240x32xf32, #tpu.memory_space<hbm>>
        tpu.enqueue_indirect_dma source(%dma_start3A_96 : memref<10240x32xf32, #tpu.memory_space<hbm>>) target(%arg12 : memref<1024x32xf32, #tpu.memory_space<vmem>>) offsets(%dma_start3A_93 : memref<1024xi32, #tpu.memory_space<vmem>>) semaphore(%arg14 : memref<!tpu.dma_semaphore, #tpu.memory_space<semaphore_mem>>)
      } else {
      }
      %dma_wait3A_83 = arith.constant 0 : i32
      %dma_wait3A_84 = tpu.memref_slice %arg10[%add3A_68, %dma_wait3A_83] : memref<10x1024xi32, #tpu.memory_space<vmem>> -> memref<1x1024xi32, #tpu.memory_space<vmem>>
      %dma_wait3A_85 = tpu.memref_squeeze %dma_wait3A_84 : memref<1x1024xi32, #tpu.memory_space<vmem>> -> memref<1024xi32, #tpu.memory_space<vmem>>
      %dma_wait3A_86 = arith.constant 0 : i32
      %dma_wait3A_87 = arith.constant 0 : i32
      %dma_wait3A_88 = tpu.memref_slice %arg2[%dma_wait3A_86, %dma_wait3A_87] : memref<10240x32xf32, #tpu.memory_space<hbm>> -> memref<10240x32xf32, #tpu.memory_space<hbm>>
      tpu.wait_indirect_dma semaphore(%arg15 : memref<!tpu.dma_semaphore, #tpu.memory_space<semaphore_mem>>) src(%dma_wait3A_88 : memref<10240x32xf32, #tpu.memory_space<hbm>>) dst(%arg13 : memref<1024x32xf32, #tpu.memory_space<vmem>>)
      "tpu.region"() ({
        %run_scoped3A = tpu.sem_alloc : memref<!tpu.dma_semaphore, #tpu.memory_space<semaphore_mem>>
        %dma_start3A_89 = arith.constant 0 : i32
        %dma_start3A_90 = tpu.memref_slice %arg11[%add3A_68, %dma_start3A_89] : memref<10x1024xi32, #tpu.memory_space<vmem>> -> memref<1x1024xi32, #tpu.memory_space<vmem>>
        %dma_start3A_91 = tpu.memref_squeeze %dma_start3A_90 : memref<1x1024xi32, #tpu.memory_space<vmem>> -> memref<1024xi32, #tpu.memory_space<vmem>>
        %dma_start3A_92 = arith.constant 0 : i32
        %dma_start3A_93 = arith.constant 0 : i32
        %dma_start3A_94 = tpu.memref_slice %arg9[%dma_start3A_92, %dma_start3A_93] : memref<10240x32xf32, #tpu.memory_space<vmem_shared>> -> memref<10240x32xf32, #tpu.memory_space<vmem_shared>>
        tpu.enqueue_indirect_dma source(%arg13 : memref<1024x32xf32, #tpu.memory_space<vmem>>) target(%dma_start3A_94 : memref<10240x32xf32, #tpu.memory_space<vmem_shared>>) offsets(%dma_start3A_91 : memref<1024xi32, #tpu.memory_space<vmem>>) semaphore(%run_scoped3A : memref<!tpu.dma_semaphore, #tpu.memory_space<semaphore_mem>>) {add = true}
        %dma_wait3A_95 = arith.constant 0 : i32
        %dma_wait3A_96 = tpu.memref_slice %arg11[%add3A_68, %dma_wait3A_95] : memref<10x1024xi32, #tpu.memory_space<vmem>> -> memref<1x1024xi32, #tpu.memory_space<vmem>>
        %dma_wait3A_97 = tpu.memref_squeeze %dma_wait3A_96 : memref<1x1024xi32, #tpu.memory_space<vmem>> -> memref<1024xi32, #tpu.memory_space<vmem>>
        %dma_wait3A_98 = arith.constant 0 : i32
        %dma_wait3A_99 = arith.constant 0 : i32
        %dma_wait3A_100 = tpu.memref_slice %arg9[%dma_wait3A_98, %dma_wait3A_99] : memref<10240x32xf32, #tpu.memory_space<vmem_shared>> -> memref<10240x32xf32, #tpu.memory_space<vmem_shared>>
        tpu.wait_indirect_dma semaphore(%run_scoped3A : memref<!tpu.dma_semaphore, #tpu.memory_space<semaphore_mem>>) src(%arg13 : memref<1024x32xf32, #tpu.memory_space<vmem>>) dst(%dma_wait3A_100 : memref<10240x32xf32, #tpu.memory_space<vmem_shared>>)
        tpu.yield
      }) : () -> ()
    }
    %scan3A_52 = arith.constant 5 : i32
    %barrier3A_53 = arith.constant 0 : index
    tpu.barrier barrier_id(%barrier3A_53)
    %dma_start3A_54 = arith.constant 0 : i32
    %dma_start3A_55 = tpu.memref_slice %arg8[%arg0, %mul3A_2, %dma_start3A_54] : memref<2x10240x32xf32, #tpu.memory_space<hbm>> -> memref<1x640x32xf32, #tpu.memory_space<hbm>>
    %dma_start3A_56 = tpu.memref_squeeze %dma_start3A_55 : memref<1x640x32xf32, #tpu.memory_space<hbm>> -> memref<640x32xf32, #tpu.memory_space<hbm>>
    %dma_start3A_57 = arith.constant 0 : i32
    %dma_start3A_58 = tpu.memref_slice %arg9[%mul3A_2, %dma_start3A_57] : memref<10240x32xf32, #tpu.memory_space<vmem_shared>> -> memref<640x32xf32, #tpu.memory_space<vmem_shared>>
    tpu.enqueue_dma source(%dma_start3A_58 : memref<640x32xf32, #tpu.memory_space<vmem_shared>>) target(%dma_start3A_56 : memref<640x32xf32, #tpu.memory_space<hbm>>) target_semaphore(%arg14 : memref<!tpu.dma_semaphore, #tpu.memory_space<semaphore_mem>>)
    %dma_wait3A_59 = arith.constant 0 : i32
    %dma_wait3A_60 = tpu.memref_slice %arg8[%arg0, %mul3A_2, %dma_wait3A_59] : memref<2x10240x32xf32, #tpu.memory_space<hbm>> -> memref<1x640x32xf32, #tpu.memory_space<hbm>>
    %dma_wait3A_61 = tpu.memref_squeeze %dma_wait3A_60 : memref<1x640x32xf32, #tpu.memory_space<hbm>> -> memref<640x32xf32, #tpu.memory_space<hbm>>
    %dma_wait3A_62 = arith.constant 0 : i32
    %dma_wait3A_63 = tpu.memref_slice %arg9[%mul3A_2, %dma_wait3A_62] : memref<10240x32xf32, #tpu.memory_space<vmem_shared>> -> memref<640x32xf32, #tpu.memory_space<vmem_shared>>
    tpu.wait_dma2 semaphore(%arg14 : memref<!tpu.dma_semaphore, #tpu.memory_space<semaphore_mem>>) src(%dma_wait3A_63 : memref<640x32xf32, #tpu.memory_space<vmem_shared>>) dst(%dma_wait3A_61 : memref<640x32xf32, #tpu.memory_space<hbm>>)
    return
  }
}

module attributes {stable_mosaic.version = 14 : i64} {
  func.func @_tc1_body(%arg0: memref<10000x128xf32, #tpu.memory_space<vmem>>, %arg1: memref<128x128xf32, #tpu.memory_space<vmem>>, %arg2: memref<1x128xf32, #tpu.memory_space<vmem>>, %arg3: memref<128x64xf32, #tpu.memory_space<vmem>>, %arg4: memref<128x64xf32, #tpu.memory_space<vmem>>, %arg5: memref<1x64xf32, #tpu.memory_space<vmem>>, %arg6: memref<10240x64xf32, #tpu.memory_space<vmem>>, %arg7: memref<10240x64xf32, #tpu.memory_space<vmem>>) attributes {dimension_semantics = [], scalar_prefetch = 0 : i64, scratch_operands = 0 : i64, tpu.core_type = #tpu.core_type<tc>} {
    %get3A = arith.constant 0 : index
    %get3A_0 = arith.constant 0 : index
    %get3A_1 = vector.load %arg0[%get3A, %get3A_0] : memref<10000x128xf32, #tpu.memory_space<vmem>>, vector<10000x128xf32>
    %get3A_2 = arith.constant 0 : index
    %get3A_3 = arith.constant 0 : index
    %get3A_4 = vector.load %arg1[%get3A_2, %get3A_3] : memref<128x128xf32, #tpu.memory_space<vmem>>, vector<128x128xf32>
    %dot_general3A = arith.constant dense<0.000000e+00> : vector<10000x128xf32>
    %dot_general3A_5 = tpu.matmul %get3A_1, %get3A_4, %dot_general3A {dimension_numbers = #tpu.dot_dimension_numbers<[1], [0], [0], [1], [0, 0, 1, 1], [], []>, transpose_lhs_hint = false} : vector<10000x128xf32>, vector<128x128xf32>, vector<10000x128xf32> -> vector<10000x128xf32>
    %get3A_6 = arith.constant 0 : index
    %get3A_7 = arith.constant 0 : index
    %get3A_8 = vector.load %arg2[%get3A_6, %get3A_7] : memref<1x128xf32, #tpu.memory_space<vmem>>, vector<1x128xf32>
    %add3A = vector.broadcast %get3A_8 : vector<1x128xf32> to vector<10000x128xf32>
    %add3A_9 = arith.addf %dot_general3A_5, %add3A : vector<10000x128xf32>
    %get3A_10 = arith.constant 0 : index
    %get3A_11 = arith.constant 0 : index
    %get3A_12 = vector.load %arg3[%get3A_10, %get3A_11] : memref<128x64xf32, #tpu.memory_space<vmem>>, vector<128x64xf32>
    %dot_general3A_13 = arith.constant dense<0.000000e+00> : vector<10000x64xf32>
    %dot_general3A_14 = tpu.matmul %add3A_9, %get3A_12, %dot_general3A_13 {dimension_numbers = #tpu.dot_dimension_numbers<[1], [0], [0], [1], [0, 0, 1, 1], [], []>, transpose_lhs_hint = false} : vector<10000x128xf32>, vector<128x64xf32>, vector<10000x64xf32> -> vector<10000x64xf32>
    %swap3A = arith.constant 0 : index
    %swap3A_15 = arith.constant 0 : index
    %swap3A_16 = vector.load %arg6[%swap3A, %swap3A_15] : memref<10240x64xf32, #tpu.memory_space<vmem>>, vector<10000x64xf32>
    tpu.vector_store %arg6[%swap3A, %swap3A_15], %dot_general3A_14 {strides = array<i32>} : memref<10240x64xf32, #tpu.memory_space<vmem>>, vector<10000x64xf32>,
    %get3A_17 = arith.constant 0 : index
    %get3A_18 = arith.constant 0 : index
    %get3A_19 = vector.load %arg4[%get3A_17, %get3A_18] : memref<128x64xf32, #tpu.memory_space<vmem>>, vector<128x64xf32>
    %dot_general3A_20 = arith.constant dense<0.000000e+00> : vector<10000x64xf32>
    %dot_general3A_21 = tpu.matmul %add3A_9, %get3A_19, %dot_general3A_20 {dimension_numbers = #tpu.dot_dimension_numbers<[1], [0], [0], [1], [0, 0, 1, 1], [], []>, transpose_lhs_hint = false} : vector<10000x128xf32>, vector<128x64xf32>, vector<10000x64xf32> -> vector<10000x64xf32>
    %get3A_22 = arith.constant 0 : index
    %get3A_23 = arith.constant 0 : index
    %get3A_24 = vector.load %arg5[%get3A_22, %get3A_23] : memref<1x64xf32, #tpu.memory_space<vmem>>, vector<1x64xf32>
    %add3A_25 = vector.broadcast %get3A_24 : vector<1x64xf32> to vector<10000x64xf32>
    %add3A_26 = arith.addf %dot_general3A_21, %add3A_25 : vector<10000x64xf32>
    %swap3A_27 = arith.constant 0 : index
    %swap3A_28 = arith.constant 0 : index
    %swap3A_29 = vector.load %arg7[%swap3A_27, %swap3A_28] : memref<10240x64xf32, #tpu.memory_space<vmem>>, vector<10000x64xf32>
    tpu.vector_store %arg7[%swap3A_27, %swap3A_28], %add3A_26 {strides = array<i32>} : memref<10240x64xf32, #tpu.memory_space<vmem>>, vector<10000x64xf32>,
    return
  }
}

module attributes {stable_mosaic.version = 14 : i64} {
  func.func @_tc2_body(%arg0: memref<2x10240x64xf32, #tpu.memory_space<vmem>>, %arg1: memref<2x10240x16xf32, #tpu.memory_space<vmem>>, %arg2: memref<10240x64xf32, #tpu.memory_space<vmem>>, %arg3: memref<64x32xf32, #tpu.memory_space<vmem>>, %arg4: memref<64x32xf32, #tpu.memory_space<vmem>>, %arg5: memref<1x32xf32, #tpu.memory_space<vmem>>, %arg6: memref<10240x32xf32, #tpu.memory_space<vmem>>, %arg7: memref<10240x32xf32, #tpu.memory_space<vmem>>) attributes {dimension_semantics = [], scalar_prefetch = 0 : i64, scratch_operands = 0 : i64, tpu.core_type = #tpu.core_type<tc>} {
    %get3A = arith.constant 0 : index
    %get3A_0 = arith.constant 0 : index
    %get3A_1 = arith.constant 0 : index
    %get3A_2 = vector.load %arg1[%get3A, %get3A_0, %get3A_1] : memref<2x10240x16xf32, #tpu.memory_space<vmem>>, vector<1x10240x1xf32>
    %get3A_3 = vector.shape_cast %get3A_2 : vector<1x10240x1xf32> to vector<10240x1xf32>
    %get3A_4 = arith.constant 1 : index
    %get3A_5 = arith.constant 0 : index
    %get3A_6 = arith.constant 0 : index
    %get3A_7 = vector.load %arg1[%get3A_4, %get3A_5, %get3A_6] : memref<2x10240x16xf32, #tpu.memory_space<vmem>>, vector<1x10240x1xf32>
    %get3A_8 = vector.shape_cast %get3A_7 : vector<1x10240x1xf32> to vector<10240x1xf32>
    %add3A = arith.addf %get3A_3, %get3A_8 : vector<10240x1xf32>
    %get3A_9 = arith.constant 0 : index
    %get3A_10 = arith.constant 0 : index
    %get3A_11 = arith.constant 0 : index
    %get3A_12 = vector.load %arg0[%get3A_9, %get3A_10, %get3A_11] : memref<2x10240x64xf32, #tpu.memory_space<vmem>>, vector<1x10240x64xf32>
    %get3A_13 = vector.shape_cast %get3A_12 : vector<1x10240x64xf32> to vector<10240x64xf32>
    %get3A_14 = arith.constant 1 : index
    %get3A_15 = arith.constant 0 : index
    %get3A_16 = arith.constant 0 : index
    %get3A_17 = vector.load %arg0[%get3A_14, %get3A_15, %get3A_16] : memref<2x10240x64xf32, #tpu.memory_space<vmem>>, vector<1x10240x64xf32>
    %get3A_18 = vector.shape_cast %get3A_17 : vector<1x10240x64xf32> to vector<10240x64xf32>
    %add3A_19 = arith.addf %get3A_13, %get3A_18 : vector<10240x64xf32>
    %max3A = arith.constant 1.000000e+00 : f32
    %max3A_20 = vector.broadcast %max3A : f32 to vector<10240x1xf32>
    %max3A_21 = arith.maximumf %add3A, %max3A_20 : vector<10240x1xf32>
    %div3A = vector.broadcast %max3A_21 : vector<10240x1xf32> to vector<10240x64xf32>
    %div3A_22 = arith.divf %add3A_19, %div3A : vector<10240x64xf32>
    %get3A_23 = arith.constant 0 : index
    %get3A_24 = arith.constant 0 : index
    %get3A_25 = vector.load %arg2[%get3A_23, %get3A_24] : memref<10240x64xf32, #tpu.memory_space<vmem>>, vector<10240x64xf32>
    %add3A_26 = arith.addf %div3A_22, %get3A_25 : vector<10240x64xf32>
    %max3A_27 = arith.constant 0.000000e+00 : f32
    %max3A_28 = vector.broadcast %max3A_27 : f32 to vector<10240x64xf32>
    %max3A_29 = arith.maximumf %add3A_26, %max3A_28 : vector<10240x64xf32>
    %get3A_30 = arith.constant 0 : index
    %get3A_31 = arith.constant 0 : index
    %get3A_32 = vector.load %arg3[%get3A_30, %get3A_31] : memref<64x32xf32, #tpu.memory_space<vmem>>, vector<64x32xf32>
    %dot_general3A = arith.constant dense<0.000000e+00> : vector<10240x32xf32>
    %dot_general3A_33 = tpu.matmul %max3A_29, %get3A_32, %dot_general3A {dimension_numbers = #tpu.dot_dimension_numbers<[1], [0], [0], [1], [0, 0, 1, 1], [], []>, transpose_lhs_hint = false} : vector<10240x64xf32>, vector<64x32xf32>, vector<10240x32xf32> -> vector<10240x32xf32>
    %swap3A = arith.constant 0 : index
    %swap3A_34 = arith.constant 0 : index
    %swap3A_35 = vector.load %arg6[%swap3A, %swap3A_34] : memref<10240x32xf32, #tpu.memory_space<vmem>>, vector<10240x32xf32>
    tpu.vector_store %arg6[%swap3A, %swap3A_34], %dot_general3A_33 {strides = array<i32>} : memref<10240x32xf32, #tpu.memory_space<vmem>>, vector<10240x32xf32>,
    %get3A_36 = arith.constant 0 : index
    %get3A_37 = arith.constant 0 : index
    %get3A_38 = vector.load %arg4[%get3A_36, %get3A_37] : memref<64x32xf32, #tpu.memory_space<vmem>>, vector<64x32xf32>
    %dot_general3A_39 = arith.constant dense<0.000000e+00> : vector<10240x32xf32>
    %dot_general3A_40 = tpu.matmul %max3A_29, %get3A_38, %dot_general3A_39 {dimension_numbers = #tpu.dot_dimension_numbers<[1], [0], [0], [1], [0, 0, 1, 1], [], []>, transpose_lhs_hint = false} : vector<10240x64xf32>, vector<64x32xf32>, vector<10240x32xf32> -> vector<10240x32xf32>
    %get3A_41 = arith.constant 0 : index
    %get3A_42 = arith.constant 0 : index
    %get3A_43 = vector.load %arg5[%get3A_41, %get3A_42] : memref<1x32xf32, #tpu.memory_space<vmem>>, vector<1x32xf32>
    %add3A_44 = vector.broadcast %get3A_43 : vector<1x32xf32> to vector<10240x32xf32>
    %add3A_45 = arith.addf %dot_general3A_40, %add3A_44 : vector<10240x32xf32>
    %swap3A_46 = arith.constant 0 : index
    %swap3A_47 = arith.constant 0 : index
    %swap3A_48 = vector.load %arg7[%swap3A_46, %swap3A_47] : memref<10240x32xf32, #tpu.memory_space<vmem>>, vector<10240x32xf32>
    tpu.vector_store %arg7[%swap3A_46, %swap3A_47], %add3A_45 {strides = array<i32>} : memref<10240x32xf32, #tpu.memory_space<vmem>>, vector<10240x32xf32>,
    return
  }
}

module attributes {stable_mosaic.version = 14 : i64} {
  func.func @_tc3_body(%arg0: memref<2x10240x32xf32, #tpu.memory_space<vmem>>, %arg1: memref<2x10240x16xf32, #tpu.memory_space<vmem>>, %arg2: memref<10240x32xf32, #tpu.memory_space<vmem>>, %arg3: memref<10000x32xf32, #tpu.memory_space<vmem>>) attributes {dimension_semantics = [], scalar_prefetch = 0 : i64, scratch_operands = 0 : i64, tpu.core_type = #tpu.core_type<tc>} {
    %get3A = arith.constant 0 : index
    %get3A_0 = arith.constant 0 : index
    %get3A_1 = arith.constant 0 : index
    %get3A_2 = vector.load %arg1[%get3A, %get3A_0, %get3A_1] : memref<2x10240x16xf32, #tpu.memory_space<vmem>>, vector<1x10000x1xf32>
    %get3A_3 = vector.shape_cast %get3A_2 : vector<1x10000x1xf32> to vector<10000x1xf32>
    %get3A_4 = arith.constant 1 : index
    %get3A_5 = arith.constant 0 : index
    %get3A_6 = arith.constant 0 : index
    %get3A_7 = vector.load %arg1[%get3A_4, %get3A_5, %get3A_6] : memref<2x10240x16xf32, #tpu.memory_space<vmem>>, vector<1x10000x1xf32>
    %get3A_8 = vector.shape_cast %get3A_7 : vector<1x10000x1xf32> to vector<10000x1xf32>
    %add3A = arith.addf %get3A_3, %get3A_8 : vector<10000x1xf32>
    %get3A_9 = arith.constant 0 : index
    %get3A_10 = arith.constant 0 : index
    %get3A_11 = arith.constant 0 : index
    %get3A_12 = vector.load %arg0[%get3A_9, %get3A_10, %get3A_11] : memref<2x10240x32xf32, #tpu.memory_space<vmem>>, vector<1x10000x32xf32>
    %get3A_13 = vector.shape_cast %get3A_12 : vector<1x10000x32xf32> to vector<10000x32xf32>
    %get3A_14 = arith.constant 1 : index
    %get3A_15 = arith.constant 0 : index
    %get3A_16 = arith.constant 0 : index
    %get3A_17 = vector.load %arg0[%get3A_14, %get3A_15, %get3A_16] : memref<2x10240x32xf32, #tpu.memory_space<vmem>>, vector<1x10000x32xf32>
    %get3A_18 = vector.shape_cast %get3A_17 : vector<1x10000x32xf32> to vector<10000x32xf32>
    %add3A_19 = arith.addf %get3A_13, %get3A_18 : vector<10000x32xf32>
    %max3A = arith.constant 1.000000e+00 : f32
    %max3A_20 = vector.broadcast %max3A : f32 to vector<10000x1xf32>
    %max3A_21 = arith.maximumf %add3A, %max3A_20 : vector<10000x1xf32>
    %div3A = vector.broadcast %max3A_21 : vector<10000x1xf32> to vector<10000x32xf32>
    %div3A_22 = arith.divf %add3A_19, %div3A : vector<10000x32xf32>
    %get3A_23 = arith.constant 0 : index
    %get3A_24 = arith.constant 0 : index
    %get3A_25 = vector.load %arg2[%get3A_23, %get3A_24] : memref<10240x32xf32, #tpu.memory_space<vmem>>, vector<10000x32xf32>
    %add3A_26 = arith.addf %div3A_22, %get3A_25 : vector<10000x32xf32>
    %reduce_max3A = arith.constant dense<0xFF800000> : vector<10000xf32>
    %reduce_max3A_27 = vector.multi_reduction <maximumf>, %add3A_26, %reduce_max3A [1] : vector<10000x32xf32> to vector<10000xf32>
    %broadcast_in_dim3A = vector.shape_cast %reduce_max3A_27 : vector<10000xf32> to vector<10000x1xf32>
    %sub3A = vector.broadcast %broadcast_in_dim3A : vector<10000x1xf32> to vector<10000x32xf32>
    %sub3A_28 = arith.subf %add3A_26, %sub3A : vector<10000x32xf32>
    %exp3A = math.exp %sub3A_28 : vector<10000x32xf32>
    %reduce_sum3A = arith.constant dense<0.000000e+00> : vector<10000xf32>
    %reduce_sum3A_29 = vector.multi_reduction <add>, %exp3A, %reduce_sum3A [1] : vector<10000x32xf32> to vector<10000xf32>
    %broadcast_in_dim3A_30 = vector.shape_cast %reduce_sum3A_29 : vector<10000xf32> to vector<10000x1xf32>
    %log3A = math.log %broadcast_in_dim3A_30 : vector<10000x1xf32>
    %sub3A_31 = vector.broadcast %log3A : vector<10000x1xf32> to vector<10000x32xf32>
    %sub3A_32 = arith.subf %sub3A_28, %sub3A_31 : vector<10000x32xf32>
    %swap3A = arith.constant 0 : index
    %swap3A_33 = arith.constant 0 : index
    %swap3A_34 = vector.load %arg3[%swap3A, %swap3A_33] : memref<10000x32xf32, #tpu.memory_space<vmem>>, vector<10000x32xf32>
    tpu.vector_store %arg3[%swap3A, %swap3A_33], %sub3A_32 {strides = array<i32>} : memref<10000x32xf32, #tpu.memory_space<vmem>>, vector<10000x32xf32>,
    return
  }
}

</mosaic_0001>

<sc_bundles>
// kernel: kernel.10.cloned.1.call-start
scs
__scs_entry_jumppad:
0x0: {  	(pc) =	sbr.rel $0x88, $3  }
0x1: {  	(tag) =	ssettag $0x0;
	lr =	simm.s32 $0x1  }
0x2: {  	[smem:$0x3F97] =	sst lr;
	_ =	strace $0xD0000000  }
0x3: {  	_ = 	snop  }
0x4: {  	_ = 	snop  }
0x5: {  	_ = 	snop  }
0x6: {  	_ = 	snop  }
0x7: {  	_ = 	snop  }
__scs_overlays_trampoline_lowered:
0x8: {  	[smem:$0x3FA6] =	sst s0  }
0x9: {  	[smem:$0x3FA7] =	sst s1  }
0xa: {  	[smem:$0x3FA8] =	sst s2  }
0xb: {  	[smem:$0x3FA9] =	sst s3  }
0xc: {  	[smem:$0x3FAA] =	sst s4  }
0xd: {  	[smem:$0x3FAB] =	sst s5  }
0xe: {  	[smem:$0x3FAC] =	sst s6  }
0xf: {  	[smem:$0x3FAD] =	sst s7  }
0x10: {  	[smem:$0x3FAE] =	sst s8  }
0x11: {  	[smem:$0x3FAF] =	sst s9;
	s0 =	simm.s32 @!p0 $0x0  }
0x12: {  	s1 =	sld [smem:$0x3F95];
	s0 =	simm.s32 @p0 $0x1  }
0x13: {  	[smem:$0x3FB0] =	sst s0;
	s0 =	simm.s32 @!p1 $0x0  }
0x14: {  	s2 =	sld [smem:$0x3F94];
	s0 =	simm.s32 @p1 $0x1  }
0x15: {  	[smem:$0x3FB1] =	sst s0;
	s0 =	simm.s32 @!p2 $0x0  }
0x16: {  	s3 =	sld [smem:$0x3FDB];
	s0 =	simm.s32 @p2 $0x1  }
0x17: {  	s4 =	simm.s32 $0x1BF5;
	[smem:$0x3FB3] =	sst s0  }
0x18: {  	s0 =	sld [smem:$0x3F96];
	_ =	swait.ge [sflag:s4], $0x0  }
0x19: {  	s7 =	sld [smem:$0x3F97]  }
0x1a: {  	s8 =	sadd.s32 $0xFFFFE003, lr  }
0x1b: {  	s9 =	sadd.s32 $0xFFFFFEF7, lr;
	s5 =	simm.s32 $0xFFFFFFFF;
	p2 =	slt.u32 s8, $0xFFFFF086  }
0x1c: {  	p1 =	slt.u32 s9, $0xF7A;
	s5 =	simm.s32 @!p2 $0x0  }
0x1d: {  	s5 =	simm.s32 @p1 $0x1;
	p0 =	seq.s32 s7, s2  }
0x1e: {  	s7 =	smul.u32 @!p0 $0xF7A, s2;
	p2 =	seq.s32 @!p0 s5, $0x0  }
0x1f: {  	s9 =	smul.u32 $0xF7A, s1;
	s8 =	simm.s32 @!p0 $0x1BF5;
	p2 =	por !p2, p0  }
0x20: {  	[sflag:s8] =	ssyncset.s32 @!p0 $0xFFFFF086;
	s6 =	sadd.s32 @!p0 s3, s7;
	s7 =	simm.s32 @!p0 $0x108  }
0x21: {  	s3 =	sadd.s32 s3, s9;
	s6 =	sadd.s32 @!p0 $0x88, s6;
	s7 =	simm.s32 @p2 $0x1082  }
0x22: {  	[simem:s7], [sflag:s8] =	dma.local @!p0 [hbm:s6], $0xF7A  }
0x23: {  	s9 =	sor.u32 $0xD0000000, s2;
	s6 =	simm.s32 $0x108;
	_ =	swait.ge @!p0 [sflag:s8], $0x0  }
0x24: {  	s3 =	sadd.s32 $0x88, s3;
	s6 =	simm.s32 @!p1 $0x1082;
	[sflag:s4] =	ssyncset.s32 $0xFFFFF086  }
0x25: {  	[simem:s6], [sflag:s4] =	dma.local [hbm:s3], $0xF7A  }
0x26: {  	[smem:$0x3F97] =	sst s1;
	(tag) =	ssettag s2;
	_ =	strace s9  }
0x27: {  	s1 =	sld [smem:$0x3FA7]  }
0x28: {  	s2 =	sld [smem:$0x3FA8]  }
0x29: {  	s4 =	sld [smem:$0x3FAA]  }
0x2a: {  	p0 =	seq.s32 s5, $0x0;
	s5 =	sld [smem:$0x3FAB]  }
0x2b: {  	s6 =	sld [smem:$0x3FAC]  }
0x2c: {  	s7 =	sld [smem:$0x3FAD]  }
0x2d: {  	s3 =	simm.s32 $0x108;
	s8 =	sld [smem:$0x3FAE]  }
0x2e: {  	s3 =	simm.s32 @!p0 $0x1082;
	s9 =	sld [smem:$0x3FAF]  }
0x2f: {  	lr =	sadd.s32 s0, s3;
	s0 =	sld [smem:$0x3FA6]  }
0x30: {  	s3 =	sld [smem:$0x3FA9]  }
0x31: {  	[smem:$0x3FB2] =	sst s10  }
0x32: {  	s10 =	sld [smem:$0x3FB0];
	_ =	sdelay $0x3  }
0x33: {  	p0 =	seq.s32 s10, $0x1;
	s10 =	sld [smem:$0x3FB2];
	_ =	sdelay $0x3  }
0x34: {  	[smem:$0x3FB2] =	sst s10  }
0x35: {  	s10 =	sld [smem:$0x3FB1];
	_ =	sdelay $0x3  }
0x36: {  	p1 =	seq.s32 s10, $0x1;
	s10 =	sld [smem:$0x3FB2];
	_ =	sdelay $0x3  }
0x37: {  	[smem:$0x3FB2] =	sst s10  }
0x38: {  	s10 =	sld [smem:$0x3FB3]  }
0x39: {  	_ = 	snop;
	(pc) =	sbr.ind lr, $3  }
0x3a: {  	_ = 	snop  }
0x3b: {  	_ = 	snop  }
0x3c: {  	p2 =	seq.s32 s10, $0x1;
	s10 =	sld [smem:$0x3FB2]  }
0x3d: {  	_ =	shalt  }
0x3e: {  	_ =	shalt  }
0x3f: {  	_ =	shalt  }
0x40: {  	_ =	shalt  }
0x41: {  	_ =	shalt  }
0x42: {  	_ =	shalt  }
0x43: {  	_ =	shalt  }
0x44: {  	_ =	shalt  }
0x45: {  	_ =	shalt  }
0x46: {  	_ =	shalt  }
0x47: {  	_ =	shalt  }
0x48: {  	_ =	shalt  }
0x49: {  	_ =	shalt  }
0x4a: {  	_ =	shalt  }
0x4b: {  	_ =	shalt  }
0x4c: {  	_ =	shalt  }
0x4d: {  	_ =	shalt  }
0x4e: {  	_ =	shalt  }
0x4f: {  	_ =	shalt  }
0x50: {  	_ =	shalt  }
0x51: {  	_ =	shalt  }
0x52: {  	_ =	shalt  }
0x53: {  	_ =	shalt  }
0x54: {  	_ =	shalt  }
0x55: {  	_ =	shalt  }
0x56: {  	_ =	shalt  }
0x57: {  	_ =	shalt  }
0x58: {  	_ =	shalt  }
0x59: {  	_ =	shalt  }
0x5a: {  	_ =	shalt  }
0x5b: {  	_ =	shalt  }
0x5c: {  	_ =	shalt  }
0x5d: {  	_ =	shalt  }
0x5e: {  	_ =	shalt  }
0x5f: {  	_ =	shalt  }
0x60: {  	_ =	shalt  }
0x61: {  	_ =	shalt  }
0x62: {  	_ =	shalt  }
0x63: {  	_ =	shalt  }
0x64: {  	_ =	shalt  }
0x65: {  	_ =	shalt  }
0x66: {  	_ =	shalt  }
0x67: {  	_ =	shalt  }
0x68: {  	_ =	shalt  }
0x69: {  	_ =	shalt  }
0x6a: {  	_ =	shalt  }
0x6b: {  	_ =	shalt  }
0x6c: {  	_ =	shalt  }
0x6d: {  	_ =	shalt  }
0x6e: {  	_ =	shalt  }
0x6f: {  	_ =	shalt  }
0x70: {  	_ =	shalt  }
0x71: {  	_ =	shalt  }
0x72: {  	_ =	shalt  }
0x73: {  	_ =	shalt  }
0x74: {  	_ =	shalt  }
0x75: {  	_ =	shalt  }
0x76: {  	_ =	shalt  }
0x77: {  	_ =	shalt  }
0x78: {  	_ =	shalt  }
0x79: {  	_ =	shalt  }
0x7a: {  	_ =	shalt  }
0x7b: {  	_ =	shalt  }
0x7c: {  	_ =	shalt  }
0x7d: {  	_ =	shalt  }
0x7e: {  	_ =	shalt  }
0x7f: {  	_ =	shalt  }
0x80: {  	_ =	shalt  }
0x81: {  	_ =	shalt  }
0x82: {  	_ =	shalt  }
0x83: {  	_ =	shalt  }
0x84: {  	_ =	shalt  }
0x85: {  	_ =	shalt  }
0x86: {  	_ =	shalt  }
0x87: {  	_ =	shalt  }
.Lfunc_end0:
.L_simem_size_0:
called_computation.1_lowered:
.L_overlay_start_0:
0x88: {  	s2 =	sld [smem:$0x3FD9]  }
0x89: {  	s3 =	sld [smem:$0x3FFE];
	_ =	sdelay $0x1  }
0x8a: {  	s1 =	srdreg.scid  }
0x8b: {  	s0 =	sand.u32 $0x1, s1  }
0x8c: {  	s16 =	sshll.u32 s0, $0xA;
	s2 =	sadd.s32 s3, s2  }
0x8d: {  	s2 =	sadd.s32 s2, s16  }
0x8e: {  	[smem:$0x3FBE] =	sst s2  }
0x8f: {  	_ = 	snop  }
0x90: {  	(tm) =	ssettm $0x1  }
0x91: {  	s17 =	sld [smem:$0x3FFB];
	_ =	sdelay $0x3  }
0x92: {  	_ =	strace s17  }
0x93: {  	s2 =	sld [smem:$0x3FFC];
	_ =	sdelay $0x3  }
0x94: {  	_ =	strace s2  }
0x95: {  	s2 =	sld [smem:$0x3FFD];
	_ =	sdelay $0x3  }
0x96: {  	_ =	strace s2  }
0x97: {  	_ =	strace $0x8FFFFFFF  }
0x98: {  	s18 =	sld [smem:$0x3FDB];
	_ =	sdelay $0x1  }
0x99: {  	s19 =	simm.s32 $_scs_section_size  }
0x9a: {  	s4 =	simm.s32 $_size__tile_overlayer_lowered;
	s5 =	simm.s32 $_tile_overlayer_lowered  }
0x9b: {  	s22 =	simm.s32 $0x1BFF;
	s21 =	sshll.u32 s5, $0x1;
	s2 =	sadd.s32 s19, s18  }
0x9c: {  	s6 =	simm.s32 $0x0;
	s20 =	sshll.u32 s4, $0x1;
	s4 =	sadd.s32 s21, s2  }
0x9d: {  	[timem:s6], [sflag:s22] =	dma.local [hbm:s4], s20  }
0x9e: {  	_ =	swait.ge [sflag:s22], s20  }
0x9f: {  	s3 =	ssub.s32 $0x0, s20;
	[sflag:s22] =	ssyncset.done $0x0  }
0xa0: {  	[sflag:s22] =	ssyncadd.s32 s3;
	_ =	sdelay $0x1  }
0xa1: {  	s23 =	simm.s32 $0x1B8B  }
0xa2: {  	_ =	swait.ge [sflag:s23], $0x1  }
0xa3: {  	[sflag:s23] =	ssyncset.done $0x0  }
0xa4: {  	s25 =	simm.s32 $0x1B8E;
	s24 =	sld [smem:$0x3FFE];
	[sflag:s23] =	ssyncadd.s32 $0xFFFFFFFF  }
0xa5: {  	s26 =	simm.s32 $execute0_lowered;
	[smem:$0x3FD2] =	sst s25  }
0xa6: {  	s4 =	sshll.u32 s26, $0x1;
	_ =	strace $0x80000049;
	[dreg:$0x1] =	wrdreg $0xFFFFFFFF  }
0xa7: {  	s28 =	simm.s32 $_size_execute0_lowered;
	s2 =	sadd.s32 s2, s4;
	[dreg:$0x0] =	wrdreg $0x0  }
0xa8: {  	s4 =	sshll.u32 s28, $0x1;
	[dreg:$0x2] =	wrdreg s2  }
0xa9: {  	[dreg:$0x3] =	wrdreg s4  }
0xaa: {  	[dreg:$0x4] =	wrdreg $0xC0  }
0xab: {  	_ =	task [dreg:s6], $0x5FFFF  }
0xac: {  	[dreg:$0x1] =	wrdreg $0xFFFFFFFF  }
0xad: {  	[dreg:$0x0] =	wrdreg $0x60  }
0xae: {  	[dreg:$0x2] =	wrdreg s24  }
0xaf: {  	[dreg:$0x3] =	wrdreg $0x0  }
0xb0: {  	[dreg:$0x4] =	wrdreg $0x9  }
0xb1: {  	_ =	task.clear_ibuf [dreg:s6], $0x5FFFF;
	_ =	strace $0x90000049  }
0xb2: {  	s29 =	simm.s32 $0x9;
	_ =	strace $0x8000004B  }
0xb3: {  	_ =	swait.ge [sflag:s29], $0x1  }
0xb4: {  	[sflag:s29] =	ssyncadd.s32 $0xFFFFFFFF  }
0xb5: {  	_ =	strace $0x9000004B  }
0xb6: {  	_ =	sfence  }
0xb7: {  	s30 =	sld [smem:$0x0];
	_ =	sdelay $0x2  }
0xb8: {  	s31 =	sshll.u32 s1, $0xD;
	s1 =	sshrl.u32 s1, $0x2  }
0xb9: {  	s3 =	sand.u32 $0x4000, s31;
	s1 =	sadd.s32 s1, s30  }
0xba: {  	s0 =	sor.u32 s3, s0;
	s1 =	sshll.u32 s1, $0x11  }
0xbb: {  	s0 =	sor.u32 s1, s0  }
0xbc: {  	s0 =	sadd.s32 $0x8F2B, s0  }
0xbd: {  	[sflag:s0] =	ssyncadd.remote.s32 $0x1  }
0xbe: {  	_ =	sfence.sel $0xFFFF  }
0xbf: {  	[dreg:$0x0] =	wrdreg $0xFFFFFFFF;
	(pc) =	sbr.abs _section_cstart, $3  }
0xc0: {  	[dreg:$0x1] =	wrdreg $0xFFFFFFFF  }
0xc1: {  	_ =	task.clear_ibuf [dreg:s6], $0x2FFFF;
	_ =	strace $0x9FFFFFFF  }
0xc2: {  	(tm) =	ssettm $0x7FFFFFFF  }
0xc3: {  	_ =	shalt  }
tec
execute0_lowered:
.L_overlay_start_1:
0x0: {  	(tag) =	ssettag $0x1  }
0x1: {  	s0 =	srdreg.scid;
	s4 =	rddreg [dreg:$0x0]  }
0x2: {  	s12 =	stileid.u32;
	s2 =	rddreg [dreg:$0x1];
	s23 =	simm.s32 $0x0  }
0x3: {  	s31 =	simm.s32 $0x5000;
	s29 =	simm.s32 $0x7800;
	s25 =	simm.s32 $0x5400  }
0x4: {  	s10 =	simm.s32 $0xA000;
	s26 =	simm.s32 $0x5800;
	s9 =	simm.s32 $0x12000  }
0x5: {  	s8 =	simm.s32 $0x3;
	s11 =	simm.s32 $0x2;
	s18 =	simm.s32 $0x7C00  }
0x6: {  	s30 =	simm.s32 $0x5C00;
	s28 =	simm.s32 $0x8000;
	p0 =	por $0x0, $0x0  }
0x7: {  	s19 =	simm.s32 $0x9000;
	s17 =	simm.s32 $0x7000;
	s16 =	simm.s32 $0x9400  }
0x8: {  	s15 =	simm.s32 $0x7400;
	s14 =	simm.s32 $0x9800;
	s13 =	simm.s32 $0x9C00  }
0x9: {  	s0 =	sand.u32 $0x1, s0;
	s5 =	smul.u32 $0x5000, s12;
	[smem:$0x7FF] =	sst s23  }
0xa: {  	s3 =	sadd.s32 $0x1C00, s4;
	s22 =	sshll.u32 s12, $0x6;
	s1 =	sshll.u32 s0, $0x4  }
0xb: {  	s6 =	smul.u32 $0x50000, s0;
	_ =	strace $0x8000004A;
	[dreg:$0x7] =	wrdreg s25  }
0xc: {  	s0 =	ssub.s32 $0x2, s0;
	[dreg:$0x8] =	wrdreg s26;
	s26 =	simm.s32 $0x6000  }
0xd: {  	s25 =	simm.s32 $0x8400;
	s1 =	sor.u32 s12, s1;
	s7 =	sshrl.u32 s5, $0x3  }
0xe: {  	s20 =	sshrl.u32 s0, $0x1;
	s1 =	smul.u32 $0x500, s1;
	s6 =	sadd.s32 s5, s6  }
0xf: {  	s7 =	sadd.s32 s7, s4;
	s0 =	ssub.s32 s0, s20;
	s5 =	sadd.s32 s5, s2  }
0x10: {  	s20 =	simm.s32 $0x8C00;
	s6 =	sshrl.u32 s6, $0x3;
	s7 =	sadd.s32 $0xBC00, s7  }
0x11: {  	s0 =	smax.u32 s0, $0x1;
	s5 =	sshrl.u32 s5, $0x3;
	s1 =	sadd.s32 s1, s4  }
0x12: {  	s4 =	sadd.s32 s6, s4;
	[dreg:$0x3] =	wrdreg s7;
	p1 =	sne.s32 s0, $0x1  }
.Ltmp0:
0x13: {  	s6 =	simm.s32 $0x1;
	s21 =	sadd.s32 $0x1FC00, s1;
	(pc) =	sbr.rel @!p1 .LBB2_1-.Ltmp0, $4  }
0x14: {  	s7 =	simm.s32 $0x400;
	s1 =	sadd.s32 $0x15C00, s1;
	[dreg:$0x4] =	wrdreg s21  }
0x15: {  	s24 =	sadd.s32 $0x29E00, s4;
	s4 =	sor.u32 $0x1C01, s22;
	[dreg:$0x5] =	wrdreg s1  }
0x16: {  	s22 =	simm.s32 $0x8800;
	[dreg:$0x6] =	wrdreg s24;
	s24 =	simm.s32 $0x6400  }
0x17: {  	s21 =	simm.s32 $0x6800;
	s1 =	sadd.s32 $0xFFFFFFFF, s0;
	s0 =	rddreg [dreg:$0x3]  }
0x18: {  	[spmem:s5], [sflag:s4] =	dma.local [hbm:s0], $0xA00  }
0x19: {  	s0 =	rddreg [dreg:$0x4]  }
0x1a: {  	[tilespmem:s31], [sflag:$0x1] =	stream.linear.gather [hbm4b:s0+s23], $0x2800, $0x38;
	[tilespmem:$0x1A000] =	vst v63  }
0x1b: {  	s12 =	smov.u32 s1;
	s1 =	rddreg [dreg:$0x5]  }
0x1c: {  	[tilespmem:s29], [sflag:$0x1] =	stream.linear.gather [hbm4b:s1+s23], $0x2800, $0x38;
	[tilespmem:$0x1A000] =	vst v63  }
0x1d: {  	_ =	swait.ge [sflag:s6], $0xA00  }
0x1e: {  	[sflag:s6] =	ssyncset.done $0x0  }
0x1f: {  	[sflag:s6] =	ssyncadd.s32 $0xFFFFF600  }
0x20: {  	_ =	swait.ge [sflag:s6], $0x2800  }
0x21: {  	[sflag:s6] =	ssyncset.done $0x0  }
0x22: {  	[sflag:s6] =	ssyncadd.s32 $0xFFFFD800  }
0x23: {  	_ =	swait.ge [sflag:s6], $0x2800  }
0x24: {  	[sflag:s6] =	ssyncset.done $0x0  }
0x25: {  	[sflag:s6] =	ssyncadd.s32 $0xFFFFD800  }
0x26: {  	[bflag:$0x0] =	sbarrier.arrive $0xFFFF  }
0x27: {  	[tilespmem:s10], [sflag:$0x1] =	stream.indirect.gather [hbm4b:s3+s7], $0x20, s31, s7, $0xb8;
	[tilespmem:$0x1A000] =	vst v63  }
0x28: {  	s1 =	rddreg [dreg:$0x7]  }
0x29: {  	[tilespmem:s9], [sflag:$0x2] =	stream.indirect.gather [hbm4b:s3+s7], $0x20, s1, s7, $0xb8;
	[tilespmem:$0x1A000] =	vst v63  }
0x2a: {  	_ =	swait.ge [sflag:s6], $0x8000  }
0x2b: {  	[sflag:s6] =	ssyncset.done $0x0  }
0x2c: {  	[sflag:s6] =	ssyncadd.s32 $0xFFFF8000  }
0x2d: {  	[spmem:s2] =	stream.indirect.scatter.add.f32 [tilespmem:s10], [sflag:$0x3], $0x20, s29, s7, $0xb8;
	[tilespmem:$0x1A000] =	vst v63  }
0x2e: {  	_ =	swait.ge [sflag:s8], $0x8000  }
0x2f: {  	[sflag:s8] =	ssyncset.done $0x0  }
0x30: {  	s1 =	rddreg [dreg:$0x8];
	[sflag:s8] =	ssyncadd.s32 $0xFFFF8000  }
0x31: {  	[tilespmem:s10], [sflag:$0x1] =	stream.indirect.gather [hbm4b:s3+s7], $0x20, s1, s7, $0xb8;
	[tilespmem:$0x1A000] =	vst v63  }
0x32: {  	_ =	swait.ge [sflag:s11], $0x8000  }
0x33: {  	[sflag:s11] =	ssyncset.done $0x0  }
0x34: {  	[sflag:s11] =	ssyncadd.s32 $0xFFFF8000  }
0x35: {  	[spmem:s2] =	stream.indirect.scatter.add.f32 [tilespmem:s9], [sflag:$0x3], $0x20, s18, s7, $0xb8;
	[tilespmem:$0x1A000] =	vst v63  }
0x36: {  	_ =	swait.ge [sflag:s8], $0x8000  }
0x37: {  	[sflag:s8] =	ssyncset.done $0x0  }
0x38: {  	[sflag:s8] =	ssyncadd.s32 $0xFFFF8000  }
0x39: {  	[tilespmem:s9], [sflag:$0x2] =	stream.indirect.gather [hbm4b:s3+s7], $0x20, s30, s7, $0xb8;
	[tilespmem:$0x1A000] =	vst v63  }
0x3a: {  	_ =	swait.ge [sflag:s6], $0x8000  }
0x3b: {  	[sflag:s6] =	ssyncset.done $0x0  }
0x3c: {  	[sflag:s6] =	ssyncadd.s32 $0xFFFF8000  }
0x3d: {  	[spmem:s2] =	stream.indirect.scatter.add.f32 [tilespmem:s10], [sflag:$0x3], $0x20, s28, s7, $0xb8;
	[tilespmem:$0x1A000] =	vst v63  }
0x3e: {  	_ =	swait.ge [sflag:s8], $0x8000  }
0x3f: {  	[sflag:s8] =	ssyncset.done $0x0  }
0x40: {  	[sflag:s8] =	ssyncadd.s32 $0xFFFF8000  }
0x41: {  	[tilespmem:s10], [sflag:$0x1] =	stream.indirect.gather [hbm4b:s3+s7], $0x20, s26, s7, $0xb8;
	[tilespmem:$0x1A000] =	vst v63  }
0x42: {  	_ =	swait.ge [sflag:s11], $0x8000  }
0x43: {  	[sflag:s11] =	ssyncset.done $0x0  }
0x44: {  	[sflag:s11] =	ssyncadd.s32 $0xFFFF8000  }
0x45: {  	[spmem:s2] =	stream.indirect.scatter.add.f32 [tilespmem:s9], [sflag:$0x3], $0x20, s25, s7, $0xb8;
	[tilespmem:$0x1A000] =	vst v63  }
0x46: {  	_ =	swait.ge [sflag:s8], $0x8000  }
0x47: {  	[sflag:s8] =	ssyncset.done $0x0  }
0x48: {  	[sflag:s8] =	ssyncadd.s32 $0xFFFF8000  }
0x49: {  	[tilespmem:s9], [sflag:$0x2] =	stream.indirect.gather [hbm4b:s3+s7], $0x20, s24, s7, $0xb8;
	[tilespmem:$0x1A000] =	vst v63  }
0x4a: {  	_ =	swait.ge [sflag:s6], $0x8000  }
0x4b: {  	[sflag:s6] =	ssyncset.done $0x0  }
0x4c: {  	[sflag:s6] =	ssyncadd.s32 $0xFFFF8000  }
0x4d: {  	[spmem:s2] =	stream.indirect.scatter.add.f32 [tilespmem:s10], [sflag:$0x3], $0x20, s22, s7, $0xb8;
	[tilespmem:$0x1A000] =	vst v63  }
0x4e: {  	_ =	swait.ge [sflag:s8], $0x8000  }
0x4f: {  	[sflag:s8] =	ssyncset.done $0x0  }
0x50: {  	[sflag:s8] =	ssyncadd.s32 $0xFFFF8000  }
0x51: {  	[tilespmem:s10], [sflag:$0x1] =	stream.indirect.gather [hbm4b:s3+s7], $0x20, s21, s7, $0xb8;
	[tilespmem:$0x1A000] =	vst v63  }
0x52: {  	_ =	swait.ge [sflag:s11], $0x8000  }
0x53: {  	[sflag:s11] =	ssyncset.done $0x0  }
0x54: {  	[sflag:s11] =	ssyncadd.s32 $0xFFFF8000  }
0x55: {  	[spmem:s2] =	stream.indirect.scatter.add.f32 [tilespmem:s9], [sflag:$0x3], $0x20, s20, s7, $0xb8;
	[tilespmem:$0x1A000] =	vst v63  }
0x56: {  	_ =	swait.ge [sflag:s8], $0x8000  }
0x57: {  	[sflag:s8] =	ssyncset.done $0x0  }
0x58: {  	s1 =	simm.s32 $0x6C00;
	[sflag:s8] =	ssyncadd.s32 $0xFFFF8000  }
0x59: {  	[tilespmem:s9], [sflag:$0x2] =	stream.indirect.gather [hbm4b:s3+s7], $0x20, s1, s7, $0xb8;
	[tilespmem:$0x1A000] =	vst v63  }
0x5a: {  	_ =	swait.ge [sflag:s6], $0x8000  }
0x5b: {  	[sflag:s6] =	ssyncset.done $0x0  }
0x5c: {  	[sflag:s6] =	ssyncadd.s32 $0xFFFF8000  }
0x5d: {  	[spmem:s2] =	stream.indirect.scatter.add.f32 [tilespmem:s10], [sflag:$0x3], $0x20, s19, s7, $0xb8;
	[tilespmem:$0x1A000] =	vst v63  }
0x5e: {  	_ =	swait.ge [sflag:s8], $0x8000  }
0x5f: {  	[sflag:s8] =	ssyncset.done $0x0  }
0x60: {  	[sflag:s8] =	ssyncadd.s32 $0xFFFF8000  }
0x61: {  	[tilespmem:s10], [sflag:$0x1] =	stream.indirect.gather [hbm4b:s3+s7], $0x20, s17, s7, $0xb8;
	[tilespmem:$0x1A000] =	vst v63  }
0x62: {  	_ =	swait.ge [sflag:s11], $0x8000  }
0x63: {  	[sflag:s11] =	ssyncset.done $0x0  }
0x64: {  	[sflag:s11] =	ssyncadd.s32 $0xFFFF8000  }
0x65: {  	[spmem:s2] =	stream.indirect.scatter.add.f32 [tilespmem:s9], [sflag:$0x3], $0x20, s16, s7, $0xb8;
	[tilespmem:$0x1A000] =	vst v63  }
0x66: {  	_ =	swait.ge [sflag:s8], $0x8000  }
0x67: {  	[sflag:s8] =	ssyncset.done $0x0  }
0x68: {  	[sflag:s8] =	ssyncadd.s32 $0xFFFF8000  }
0x69: {  	[tilespmem:s9], [sflag:$0x2] =	stream.indirect.gather [hbm4b:s3+s7], $0x20, s15, s7, $0xb8;
	[tilespmem:$0x1A000] =	vst v63  }
0x6a: {  	_ =	swait.ge [sflag:s6], $0x8000  }
0x6b: {  	[sflag:s6] =	ssyncset.done $0x0  }
0x6c: {  	[sflag:s6] =	ssyncadd.s32 $0xFFFF8000  }
0x6d: {  	[spmem:s2] =	stream.indirect.scatter.add.f32 [tilespmem:s10], [sflag:$0x3], $0x20, s14, s7, $0xb8;
	[tilespmem:$0x1A000] =	vst v63  }
0x6e: {  	_ =	swait.ge [sflag:s8], $0x8000  }
0x6f: {  	[sflag:s8] =	ssyncset.done $0x0  }
0x70: {  	[sflag:s8] =	ssyncadd.s32 $0xFFFF8000  }
0x71: {  	_ =	swait.ge [sflag:s11], $0x8000  }
0x72: {  	[sflag:s11] =	ssyncset.done $0x0  }
0x73: {  	[sflag:s11] =	ssyncadd.s32 $0xFFFF8000  }
0x74: {  	[spmem:s2] =	stream.indirect.scatter.add.f32 [tilespmem:s9], [sflag:$0x3], $0x20, s13, s7, $0xb8;
	[tilespmem:$0x1A000] =	vst v63  }
0x75: {  	_ =	swait.ge [sflag:s8], $0x8000  }
0x76: {  	[sflag:s8] =	ssyncset.done $0x0  }
0x77: {  	p1 =	sne.s32 s12, $0x1;
	[sflag:s8] =	ssyncadd.s32 $0xFFFF8000  }
.Ltmp1:
0x78: {  	[bflag:$0x0] =	sbarrier.arrive $0xFFFF;
	(pc) =	sbr.rel @!p1 .LBB2_3-.Ltmp1, $4  }
0x79: {  	s1 =	rddreg [dreg:$0x6]  }
0x7a: {  	[hbm:s1], [sflag:s4] =	dma.local [spmem:s5], $0xA00  }
0x7b: {  	p0 =	por $0x1, $0x1;
	_ =	swait.ge [sflag:s6], $0xA00  }
0x7c: {  	s1 =	sadd.s32 $0xFFFFFFFF, s12;
	s0 =	rddreg [dreg:$0x3];
	[sflag:s6] =	ssyncset.done $0x0  }
.LBB2_4:
0x7d: {  	[sflag:s6] =	ssyncadd.s32 $0xFFFFF600  }
0x7e: {  	[spmem:s5], [sflag:s4] =	dma.local [hbm:s0], $0xA00  }
0x7f: {  	s0 =	rddreg [dreg:$0x4]  }
0x80: {  	[tilespmem:s31], [sflag:$0x1] =	stream.linear.gather [hbm4b:s0+s23], $0x2800, $0x38;
	[tilespmem:$0x1A000] =	vst v63  }
0x81: {  	s12 =	rddreg [dreg:$0x5]  }
0x82: {  	[tilespmem:s29], [sflag:$0x1] =	stream.linear.gather [hbm4b:s12+s23], $0x2800, $0x38;
	[tilespmem:$0x1A000] =	vst v63  }
0x83: {  	_ =	swait.ge [sflag:s6], $0xA00  }
0x84: {  	[sflag:s6] =	ssyncset.done $0x0  }
0x85: {  	[sflag:s6] =	ssyncadd.s32 $0xFFFFF600  }
0x86: {  	_ =	swait.ge [sflag:s6], $0x2800  }
0x87: {  	[sflag:s6] =	ssyncset.done $0x0  }
0x88: {  	[sflag:s6] =	ssyncadd.s32 $0xFFFFD800  }
0x89: {  	_ =	swait.ge [sflag:s6], $0x2800  }
0x8a: {  	[sflag:s6] =	ssyncset.done $0x0  }
0x8b: {  	[sflag:s6] =	ssyncadd.s32 $0xFFFFD800  }
0x8c: {  	[bflag:$0x0] =	sbarrier.arrive $0xFFFF  }
0x8d: {  	[tilespmem:s10], [sflag:$0x1] =	stream.indirect.gather [hbm4b:s3+s7], $0x20, s31, s7, $0xb8;
	[tilespmem:$0x1A000] =	vst v63  }
0x8e: {  	s12 =	rddreg [dreg:$0x7]  }
0x8f: {  	[tilespmem:s9], [sflag:$0x2] =	stream.indirect.gather [hbm4b:s3+s7], $0x20, s12, s7, $0xb8;
	[tilespmem:$0x1A000] =	vst v63  }
0x90: {  	_ =	swait.ge [sflag:s6], $0x8000  }
0x91: {  	[sflag:s6] =	ssyncset.done $0x0  }
0x92: {  	[sflag:s6] =	ssyncadd.s32 $0xFFFF8000  }
0x93: {  	[spmem:s2] =	stream.indirect.scatter.add.f32 [tilespmem:s10], [sflag:$0x3], $0x20, s29, s7, $0xb8;
	[tilespmem:$0x1A000] =	vst v63  }
0x94: {  	_ =	swait.ge [sflag:s8], $0x8000  }
0x95: {  	[sflag:s8] =	ssyncset.done $0x0  }
0x96: {  	s12 =	rddreg [dreg:$0x8];
	[sflag:s8] =	ssyncadd.s32 $0xFFFF8000  }
0x97: {  	[tilespmem:s10], [sflag:$0x1] =	stream.indirect.gather [hbm4b:s3+s7], $0x20, s12, s7, $0xb8;
	[tilespmem:$0x1A000] =	vst v63  }
0x98: {  	_ =	swait.ge [sflag:s11], $0x8000  }
0x99: {  	[sflag:s11] =	ssyncset.done $0x0  }
0x9a: {  	[sflag:s11] =	ssyncadd.s32 $0xFFFF8000  }
0x9b: {  	[spmem:s2] =	stream.indirect.scatter.add.f32 [tilespmem:s9], [sflag:$0x3], $0x20, s18, s7, $0xb8;
	[tilespmem:$0x1A000] =	vst v63  }
0x9c: {  	_ =	swait.ge [sflag:s8], $0x8000  }
0x9d: {  	[sflag:s8] =	ssyncset.done $0x0  }
0x9e: {  	[sflag:s8] =	ssyncadd.s32 $0xFFFF8000  }
0x9f: {  	[tilespmem:s9], [sflag:$0x2] =	stream.indirect.gather [hbm4b:s3+s7], $0x20, s30, s7, $0xb8;
	[tilespmem:$0x1A000] =	vst v63  }
0xa0: {  	_ =	swait.ge [sflag:s6], $0x8000  }
0xa1: {  	[sflag:s6] =	ssyncset.done $0x0  }
0xa2: {  	[sflag:s6] =	ssyncadd.s32 $0xFFFF8000  }
0xa3: {  	[spmem:s2] =	stream.indirect.scatter.add.f32 [tilespmem:s10], [sflag:$0x3], $0x20, s28, s7, $0xb8;
	[tilespmem:$0x1A000] =	vst v63  }
0xa4: {  	_ =	swait.ge [sflag:s8], $0x8000  }
0xa5: {  	[sflag:s8] =	ssyncset.done $0x0  }
0xa6: {  	[sflag:s8] =	ssyncadd.s32 $0xFFFF8000  }
0xa7: {  	[tilespmem:s10], [sflag:$0x1] =	stream.indirect.gather [hbm4b:s3+s7], $0x20, s26, s7, $0xb8;
	[tilespmem:$0x1A000] =	vst v63  }
0xa8: {  	_ =	swait.ge [sflag:s11], $0x8000  }
0xa9: {  	[sflag:s11] =	ssyncset.done $0x0  }
0xaa: {  	[sflag:s11] =	ssyncadd.s32 $0xFFFF8000  }
0xab: {  	[spmem:s2] =	stream.indirect.scatter.add.f32 [tilespmem:s9], [sflag:$0x3], $0x20, s25, s7, $0xb8;
	[tilespmem:$0x1A000] =	vst v63  }
0xac: {  	_ =	swait.ge [sflag:s8], $0x8000  }
0xad: {  	[sflag:s8] =	ssyncset.done $0x0  }
0xae: {  	[sflag:s8] =	ssyncadd.s32 $0xFFFF8000  }
0xaf: {  	[tilespmem:s9], [sflag:$0x2] =	stream.indirect.gather [hbm4b:s3+s7], $0x20, s24, s7, $0xb8;
	[tilespmem:$0x1A000] =	vst v63  }
0xb0: {  	_ =	swait.ge [sflag:s6], $0x8000  }
0xb1: {  	[sflag:s6] =	ssyncset.done $0x0  }
0xb2: {  	[sflag:s6] =	ssyncadd.s32 $0xFFFF8000  }
0xb3: {  	[spmem:s2] =	stream.indirect.scatter.add.f32 [tilespmem:s10], [sflag:$0x3], $0x20, s22, s7, $0xb8;
	[tilespmem:$0x1A000] =	vst v63  }
0xb4: {  	_ =	swait.ge [sflag:s8], $0x8000  }
0xb5: {  	[sflag:s8] =	ssyncset.done $0x0  }
0xb6: {  	[sflag:s8] =	ssyncadd.s32 $0xFFFF8000  }
0xb7: {  	[tilespmem:s10], [sflag:$0x1] =	stream.indirect.gather [hbm4b:s3+s7], $0x20, s21, s7, $0xb8;
	[tilespmem:$0x1A000] =	vst v63  }
0xb8: {  	_ =	swait.ge [sflag:s11], $0x8000  }
0xb9: {  	[sflag:s11] =	ssyncset.done $0x0  }
0xba: {  	[sflag:s11] =	ssyncadd.s32 $0xFFFF8000  }
0xbb: {  	[spmem:s2] =	stream.indirect.scatter.add.f32 [tilespmem:s9], [sflag:$0x3], $0x20, s20, s7, $0xb8;
	[tilespmem:$0x1A000] =	vst v63  }
0xbc: {  	_ =	swait.ge [sflag:s8], $0x8000  }
0xbd: {  	[sflag:s8] =	ssyncset.done $0x0  }
0xbe: {  	s12 =	simm.s32 $0x6C00;
	[sflag:s8] =	ssyncadd.s32 $0xFFFF8000  }
0xbf: {  	[tilespmem:s9], [sflag:$0x2] =	stream.indirect.gather [hbm4b:s3+s7], $0x20, s12, s7, $0xb8;
	[tilespmem:$0x1A000] =	vst v63  }
0xc0: {  	_ =	swait.ge [sflag:s6], $0x8000  }
0xc1: {  	[sflag:s6] =	ssyncset.done $0x0  }
0xc2: {  	[sflag:s6] =	ssyncadd.s32 $0xFFFF8000  }
0xc3: {  	[spmem:s2] =	stream.indirect.scatter.add.f32 [tilespmem:s10], [sflag:$0x3], $0x20, s19, s7, $0xb8;
	[tilespmem:$0x1A000] =	vst v63  }
0xc4: {  	_ =	swait.ge [sflag:s8], $0x8000  }
0xc5: {  	[sflag:s8] =	ssyncset.done $0x0  }
0xc6: {  	[sflag:s8] =	ssyncadd.s32 $0xFFFF8000  }
0xc7: {  	[tilespmem:s10], [sflag:$0x1] =	stream.indirect.gather [hbm4b:s3+s7], $0x20, s17, s7, $0xb8;
	[tilespmem:$0x1A000] =	vst v63  }
0xc8: {  	_ =	swait.ge [sflag:s11], $0x8000  }
0xc9: {  	[sflag:s11] =	ssyncset.done $0x0  }
0xca: {  	[sflag:s11] =	ssyncadd.s32 $0xFFFF8000  }
0xcb: {  	[spmem:s2] =	stream.indirect.scatter.add.f32 [tilespmem:s9], [sflag:$0x3], $0x20, s16, s7, $0xb8;
	[tilespmem:$0x1A000] =	vst v63  }
0xcc: {  	_ =	swait.ge [sflag:s8], $0x8000  }
0xcd: {  	[sflag:s8] =	ssyncset.done $0x0  }
0xce: {  	[sflag:s8] =	ssyncadd.s32 $0xFFFF8000  }
0xcf: {  	[tilespmem:s9], [sflag:$0x2] =	stream.indirect.gather [hbm4b:s3+s7], $0x20, s15, s7, $0xb8;
	[tilespmem:$0x1A000] =	vst v63  }
0xd0: {  	_ =	swait.ge [sflag:s6], $0x8000  }
0xd1: {  	[sflag:s6] =	ssyncset.done $0x0  }
0xd2: {  	[sflag:s6] =	ssyncadd.s32 $0xFFFF8000  }
0xd3: {  	[spmem:s2] =	stream.indirect.scatter.add.f32 [tilespmem:s10], [sflag:$0x3], $0x20, s14, s7, $0xb8;
	[tilespmem:$0x1A000] =	vst v63  }
0xd4: {  	_ =	swait.ge [sflag:s8], $0x8000  }
0xd5: {  	[sflag:s8] =	ssyncset.done $0x0  }
0xd6: {  	[sflag:s8] =	ssyncadd.s32 $0xFFFF8000  }
0xd7: {  	_ =	swait.ge [sflag:s11], $0x8000  }
0xd8: {  	[sflag:s11] =	ssyncset.done $0x0  }
0xd9: {  	[sflag:s11] =	ssyncadd.s32 $0xFFFF8000  }
0xda: {  	[spmem:s2] =	stream.indirect.scatter.add.f32 [tilespmem:s9], [sflag:$0x3], $0x20, s13, s7, $0xb8;
	[tilespmem:$0x1A000] =	vst v63  }
0xdb: {  	_ =	swait.ge [sflag:s8], $0x8000  }
0xdc: {  	[sflag:s8] =	ssyncset.done $0x0  }
0xdd: {  	p1 =	sne.s32 s1, $0x1;
	[sflag:s8] =	ssyncadd.s32 $0xFFFF8000  }
.Ltmp2:
0xde: {  	[bflag:$0x0] =	sbarrier.arrive $0xFFFF;
	(pc) =	sbr.rel @p1 .LBB2_4-.Ltmp2, $4  }
0xdf: {  	s12 =	rddreg [dreg:$0x6]  }
0xe0: {  	[hbm:s12], [sflag:s4] =	dma.local [spmem:s5], $0xA00  }
0xe1: {  	_ =	swait.ge [sflag:s6], $0xA00  }
0xe2: {  	s1 =	sadd.s32 $0xFFFFFFFF, s1;
	s0 =	rddreg [dreg:$0x3];
	[sflag:s6] =	ssyncset.done $0x0  }
0xe3: {  	s13 =	simm.s32 $0x7C00  }
0xe4: {  	s30 =	simm.s32 $0x5C00;
	s28 =	simm.s32 $0x8000;
	s26 =	simm.s32 $0x6000  }
0xe5: {  	s25 =	simm.s32 $0x8400;
	s24 =	simm.s32 $0x6400;
	s22 =	simm.s32 $0x8800  }
0xe6: {  	s21 =	simm.s32 $0x6800;
	s20 =	simm.s32 $0x8C00;
	s19 =	simm.s32 $0x9000  }
0xe7: {  	s18 =	simm.s32 $0x6C00;
	s17 =	simm.s32 $0x7000;
	s16 =	simm.s32 $0x9400  }
0xe8: {  	s15 =	simm.s32 $0x7400;
	s14 =	simm.s32 $0x9800;
	s12 =	stileid.u32  }
.LBB2_6:
0xe9: {  	[sflag:s6] =	ssyncadd.s32 @p0 $0xFFFFF600  }
0xea: {  	[spmem:s5], [sflag:s4] =	dma.local [hbm:s0], $0xA00  }
0xeb: {  	s0 =	rddreg [dreg:$0x4]  }
0xec: {  	[tilespmem:s31], [sflag:$0x1] =	stream.linear.gather [hbm4b:s0+s23], $0x2800, $0x38;
	[tilespmem:$0x1A000] =	vst v63  }
0xed: {  	s1 =	rddreg [dreg:$0x5]  }
0xee: {  	[tilespmem:s29], [sflag:$0x1] =	stream.linear.gather [hbm4b:s1+s23], $0x2800, $0x38;
	[tilespmem:$0x1A000] =	vst v63  }
0xef: {  	_ =	swait.ge [sflag:s6], $0xA00  }
0xf0: {  	[sflag:s6] =	ssyncset.done $0x0  }
0xf1: {  	[sflag:s6] =	ssyncadd.s32 $0xFFFFF600  }
0xf2: {  	_ =	swait.ge [sflag:s6], $0x2800  }
0xf3: {  	[sflag:s6] =	ssyncset.done $0x0  }
0xf4: {  	[sflag:s6] =	ssyncadd.s32 $0xFFFFD800  }
0xf5: {  	_ =	swait.ge [sflag:s6], $0x2800  }
0xf6: {  	[sflag:s6] =	ssyncset.done $0x0  }
0xf7: {  	[sflag:s6] =	ssyncadd.s32 $0xFFFFD800  }
0xf8: {  	[bflag:$0x0] =	sbarrier.arrive $0xFFFF  }
0xf9: {  	[tilespmem:s10], [sflag:$0x1] =	stream.indirect.gather [hbm4b:s3+s7], $0x20, s31, s7, $0xb8;
	[tilespmem:$0x1A000] =	vst v63  }
0xfa: {  	s23 =	rddreg [dreg:$0x7]  }
0xfb: {  	[tilespmem:s9], [sflag:$0x2] =	stream.indirect.gather [hbm4b:s3+s7], $0x20, s23, s7, $0xb8;
	[tilespmem:$0x1A000] =	vst v63  }
0xfc: {  	_ =	swait.ge [sflag:s6], $0x8000  }
0xfd: {  	[sflag:s6] =	ssyncset.done $0x0  }
0xfe: {  	[sflag:s6] =	ssyncadd.s32 $0xFFFF8000  }
0xff: {  	[spmem:s2] =	stream.indirect.scatter.add.f32 [tilespmem:s10], [sflag:$0x3], $0x20, s29, s7, $0xb8;
	[tilespmem:$0x1A000] =	vst v63  }
0x100: {  	_ =	swait.ge [sflag:s8], $0x8000  }
0x101: {  	[sflag:s8] =	ssyncset.done $0x0  }
0x102: {  	s29 =	rddreg [dreg:$0x8];
	[sflag:s8] =	ssyncadd.s32 $0xFFFF8000  }
0x103: {  	[tilespmem:s10], [sflag:$0x1] =	stream.indirect.gather [hbm4b:s3+s7], $0x20, s29, s7, $0xb8;
	[tilespmem:$0x1A000] =	vst v63  }
0x104: {  	_ =	swait.ge [sflag:s11], $0x8000  }
0x105: {  	[sflag:s11] =	ssyncset.done $0x0  }
0x106: {  	[sflag:s11] =	ssyncadd.s32 $0xFFFF8000  }
0x107: {  	[spmem:s2] =	stream.indirect.scatter.add.f32 [tilespmem:s9], [sflag:$0x3], $0x20, s13, s7, $0xb8;
	[tilespmem:$0x1A000] =	vst v63  }
0x108: {  	_ =	swait.ge [sflag:s8], $0x8000  }
0x109: {  	[sflag:s8] =	ssyncset.done $0x0  }
0x10a: {  	[sflag:s8] =	ssyncadd.s32 $0xFFFF8000  }
0x10b: {  	[tilespmem:s9], [sflag:$0x2] =	stream.indirect.gather [hbm4b:s3+s7], $0x20, s30, s7, $0xb8;
	[tilespmem:$0x1A000] =	vst v63  }
0x10c: {  	_ =	swait.ge [sflag:s6], $0x8000  }
0x10d: {  	[sflag:s6] =	ssyncset.done $0x0  }
0x10e: {  	[sflag:s6] =	ssyncadd.s32 $0xFFFF8000  }
0x10f: {  	[spmem:s2] =	stream.indirect.scatter.add.f32 [tilespmem:s10], [sflag:$0x3], $0x20, s28, s7, $0xb8;
	[tilespmem:$0x1A000] =	vst v63  }
0x110: {  	_ =	swait.ge [sflag:s8], $0x8000  }
0x111: {  	[sflag:s8] =	ssyncset.done $0x0  }
0x112: {  	[sflag:s8] =	ssyncadd.s32 $0xFFFF8000  }
0x113: {  	[tilespmem:s10], [sflag:$0x1] =	stream.indirect.gather [hbm4b:s3+s7], $0x20, s26, s7, $0xb8;
	[tilespmem:$0x1A000] =	vst v63  }
0x114: {  	_ =	swait.ge [sflag:s11], $0x8000  }
0x115: {  	[sflag:s11] =	ssyncset.done $0x0  }
0x116: {  	[sflag:s11] =	ssyncadd.s32 $0xFFFF8000  }
0x117: {  	[spmem:s2] =	stream.indirect.scatter.add.f32 [tilespmem:s9], [sflag:$0x3], $0x20, s25, s7, $0xb8;
	[tilespmem:$0x1A000] =	vst v63  }
0x118: {  	_ =	swait.ge [sflag:s8], $0x8000  }
0x119: {  	[sflag:s8] =	ssyncset.done $0x0  }
0x11a: {  	[sflag:s8] =	ssyncadd.s32 $0xFFFF8000  }
0x11b: {  	[tilespmem:s9], [sflag:$0x2] =	stream.indirect.gather [hbm4b:s3+s7], $0x20, s24, s7, $0xb8;
	[tilespmem:$0x1A000] =	vst v63  }
0x11c: {  	_ =	swait.ge [sflag:s6], $0x8000  }
0x11d: {  	[sflag:s6] =	ssyncset.done $0x0  }
0x11e: {  	[sflag:s6] =	ssyncadd.s32 $0xFFFF8000  }
0x11f: {  	[spmem:s2] =	stream.indirect.scatter.add.f32 [tilespmem:s10], [sflag:$0x3], $0x20, s22, s7, $0xb8;
	[tilespmem:$0x1A000] =	vst v63  }
0x120: {  	_ =	swait.ge [sflag:s8], $0x8000  }
0x121: {  	[sflag:s8] =	ssyncset.done $0x0  }
0x122: {  	[sflag:s8] =	ssyncadd.s32 $0xFFFF8000  }
0x123: {  	[tilespmem:s10], [sflag:$0x1] =	stream.indirect.gather [hbm4b:s3+s7], $0x20, s21, s7, $0xb8;
	[tilespmem:$0x1A000] =	vst v63  }
0x124: {  	_ =	swait.ge [sflag:s11], $0x8000  }
0x125: {  	[sflag:s11] =	ssyncset.done $0x0  }
0x126: {  	[sflag:s11] =	ssyncadd.s32 $0xFFFF8000  }
0x127: {  	[spmem:s2] =	stream.indirect.scatter.add.f32 [tilespmem:s9], [sflag:$0x3], $0x20, s20, s7, $0xb8;
	[tilespmem:$0x1A000] =	vst v63  }
0x128: {  	_ =	swait.ge [sflag:s8], $0x8000  }
0x129: {  	[sflag:s8] =	ssyncset.done $0x0  }
0x12a: {  	[sflag:s8] =	ssyncadd.s32 $0xFFFF8000  }
0x12b: {  	[tilespmem:s9], [sflag:$0x2] =	stream.indirect.gather [hbm4b:s3+s7], $0x20, s18, s7, $0xb8;
	[tilespmem:$0x1A000] =	vst v63  }
0x12c: {  	_ =	swait.ge [sflag:s6], $0x8000  }
0x12d: {  	[sflag:s6] =	ssyncset.done $0x0  }
0x12e: {  	[sflag:s6] =	ssyncadd.s32 $0xFFFF8000  }
0x12f: {  	[spmem:s2] =	stream.indirect.scatter.add.f32 [tilespmem:s10], [sflag:$0x3], $0x20, s19, s7, $0xb8;
	[tilespmem:$0x1A000] =	vst v63  }
0x130: {  	_ =	swait.ge [sflag:s8], $0x8000  }
0x131: {  	[sflag:s8] =	ssyncset.done $0x0  }
0x132: {  	[sflag:s8] =	ssyncadd.s32 $0xFFFF8000  }
0x133: {  	[tilespmem:s10], [sflag:$0x1] =	stream.indirect.gather [hbm4b:s3+s7], $0x20, s17, s7, $0xb8;
	[tilespmem:$0x1A000] =	vst v63  }
0x134: {  	_ =	swait.ge [sflag:s11], $0x8000  }
0x135: {  	[sflag:s11] =	ssyncset.done $0x0  }
0x136: {  	[sflag:s11] =	ssyncadd.s32 $0xFFFF8000  }
0x137: {  	[spmem:s2] =	stream.indirect.scatter.add.f32 [tilespmem:s9], [sflag:$0x3], $0x20, s16, s7, $0xb8;
	[tilespmem:$0x1A000] =	vst v63  }
0x138: {  	_ =	swait.ge [sflag:s8], $0x8000  }
0x139: {  	[sflag:s8] =	ssyncset.done $0x0  }
0x13a: {  	[sflag:s8] =	ssyncadd.s32 $0xFFFF8000  }
0x13b: {  	[tilespmem:s9], [sflag:$0x2] =	stream.indirect.gather [hbm4b:s3+s7], $0x20, s15, s7, $0xb8;
	[tilespmem:$0x1A000] =	vst v63  }
0x13c: {  	_ =	swait.ge [sflag:s6], $0x8000  }
0x13d: {  	[sflag:s6] =	ssyncset.done $0x0  }
0x13e: {  	[sflag:s6] =	ssyncadd.s32 $0xFFFF8000  }
0x13f: {  	[spmem:s2] =	stream.indirect.scatter.add.f32 [tilespmem:s10], [sflag:$0x3], $0x20, s14, s7, $0xb8;
	[tilespmem:$0x1A000] =	vst v63  }
0x140: {  	_ =	swait.ge [sflag:s8], $0x8000  }
0x141: {  	[sflag:s8] =	ssyncset.done $0x0  }
0x142: {  	[sflag:s8] =	ssyncadd.s32 $0xFFFF8000  }
0x143: {  	_ =	swait.ge [sflag:s11], $0x8000  }
0x144: {  	[sflag:s11] =	ssyncset.done $0x0  }
0x145: {  	s30 =	simm.s32 $0x9C00;
	[sflag:s11] =	ssyncadd.s32 $0xFFFF8000  }
0x146: {  	[spmem:s2] =	stream.indirect.scatter.add.f32 [tilespmem:s9], [sflag:$0x3], $0x20, s30, s7, $0xb8;
	[tilespmem:$0x1A000] =	vst v63  }
0x147: {  	_ =	swait.ge [sflag:s8], $0x8000  }
0x148: {  	[sflag:s8] =	ssyncset.done $0x0  }
0x149: {  	[sflag:s8] =	ssyncadd.s32 $0xFFFF8000  }
0x14a: {  	[bflag:$0x0] =	sbarrier.arrive $0xFFFF  }
0x14b: {  	s31 =	rddreg [dreg:$0x6]  }
0x14c: {  	[hbm:s31], [sflag:s4] =	dma.local [spmem:s5], $0xA00  }
0x14d: {  	_ =	swait.ge [sflag:s6], $0xA00  }
0x14e: {  	[sflag:s6] =	ssyncset.done $0x0  }
0x14f: {  	[sflag:s6] =	ssyncadd.s32 $0xFFFFF600  }
0x150: {  	_ =	sfence.sel $0x180000  }
0x151: {  	[bflag:$0x0] =	sbarrier.arrive $0xFFFF  }
0x152: {  	_ =	strace $0x9000004A  }
0x153: {  	[bflag:$0x2] =	sbarrier.arrive $0xFFFF  }
0x154: {  	p0 =	sne.s32 s12, $0x0;
	s0 =	rddreg [dreg:$0x2]  }
0x155: {  	s0 =	sadd.s32 @!p0 $0x100000, s0  }
0x156: {  	[sflag:s0] =	ssyncadd.tile.s32 @!p0 $0x1;
	_ =	shalt  }
.LBB2_1:
0x157: {  	s13 =	simm.s32 $0x7C00  }
.Ltmp3:
0x158: {  	s30 =	simm.s32 $0x5C00;
	s28 =	simm.s32 $0x8000;
	(pc) =	sbr.rel .LBB2_6-.Ltmp3, $4  }
0x159: {  	s26 =	simm.s32 $0x6000;
	s25 =	simm.s32 $0x8400;
	s24 =	simm.s32 $0x6400  }
0x15a: {  	s22 =	simm.s32 $0x8800;
	s21 =	simm.s32 $0x6800;
	s20 =	simm.s32 $0x8C00  }
0x15b: {  	s19 =	simm.s32 $0x9000;
	s18 =	simm.s32 $0x6C00;
	s17 =	simm.s32 $0x7000  }
0x15c: {  	s16 =	simm.s32 $0x9400;
	s15 =	simm.s32 $0x7400;
	s14 =	simm.s32 $0x9800  }
.LBB2_3:
0x15d: {  	s13 =	simm.s32 $0x7C00;
	s30 =	simm.s32 $0x5C00  }
.Ltmp4:
0x15e: {  	s28 =	simm.s32 $0x8000;
	s26 =	simm.s32 $0x6000;
	(pc) =	sbr.rel .LBB2_6-.Ltmp4, $4  }
0x15f: {  	s25 =	simm.s32 $0x8400;
	s24 =	simm.s32 $0x6400;
	s22 =	simm.s32 $0x8800  }
0x160: {  	s21 =	simm.s32 $0x6800;
	s20 =	simm.s32 $0x8C00;
	s19 =	simm.s32 $0x9000  }
0x161: {  	s18 =	simm.s32 $0x6C00;
	s17 =	simm.s32 $0x7000;
	s16 =	simm.s32 $0x9400  }
0x162: {  	s15 =	simm.s32 $0x7400;
	s14 =	simm.s32 $0x9800;
	s12 =	stileid.u32  }
.Lfunc_end2:
_tile_overlayer_lowered:
.L_overlay_start_2:
0x163: {  	(tag) =	ssettag $0x2  }
0x164: {  	s0 =	rddreg [dreg:$0x0];
	s2 =	stileid.u32  }
0x165: {  	s1 =	rddreg [dreg:$0x1];
	p0 =	sne.s32 s2, $0x0  }
0x166: {  	s3 =	rddreg [dreg:$0x2];
	[bflag:$0x3] =	sbarrier.arrive $0xFFFF;
	s2 =	simm.s32 @!p0 $0x1C03  }
0x167: {  	[timem:s3], [sflag:s2] =	dma.local @!p0 [hbm:s0], s1  }
0x168: {  	s0 =	simm.s32 @!p0 $0x3  }
0x169: {  	_ =	swait.ge @!p0 [sflag:s0], s1  }
0x16a: {  	s1 =	ssub.s32 @!p0 $0x0, s1;
	[sflag:s0] =	ssyncset.done @!p0 $0x0  }
0x16b: {  	[sflag:s0] =	ssyncadd.s32 @!p0 s1  }
0x16c: {  	[bflag:$0x3] =	sbarrier.arrive $0xFFFF  }
0x16d: {  	_ =	shalt  }

// kernel: kernel.7.cloned.1.call-start
scs
__scs_entry_jumppad:
0x0: {  	(pc) =	sbr.rel $0x88, $3  }
0x1: {  	(tag) =	ssettag $0x0;
	lr =	simm.s32 $0x1  }
0x2: {  	[smem:$0x3F97] =	sst lr;
	_ =	strace $0xD0000000  }
0x3: {  	_ = 	snop  }
0x4: {  	_ = 	snop  }
0x5: {  	_ = 	snop  }
0x6: {  	_ = 	snop  }
0x7: {  	_ = 	snop  }
__scs_overlays_trampoline_lowered:
0x8: {  	[smem:$0x3FA6] =	sst s0  }
0x9: {  	[smem:$0x3FA7] =	sst s1  }
0xa: {  	[smem:$0x3FA8] =	sst s2  }
0xb: {  	[smem:$0x3FA9] =	sst s3  }
0xc: {  	[smem:$0x3FAA] =	sst s4  }
0xd: {  	[smem:$0x3FAB] =	sst s5  }
0xe: {  	[smem:$0x3FAC] =	sst s6  }
0xf: {  	[smem:$0x3FAD] =	sst s7  }
0x10: {  	[smem:$0x3FAE] =	sst s8  }
0x11: {  	[smem:$0x3FAF] =	sst s9;
	s0 =	simm.s32 @!p0 $0x0  }
0x12: {  	s1 =	sld [smem:$0x3F95];
	s0 =	simm.s32 @p0 $0x1  }
0x13: {  	[smem:$0x3FB0] =	sst s0;
	s0 =	simm.s32 @!p1 $0x0  }
0x14: {  	s2 =	sld [smem:$0x3F94];
	s0 =	simm.s32 @p1 $0x1  }
0x15: {  	[smem:$0x3FB1] =	sst s0;
	s0 =	simm.s32 @!p2 $0x0  }
0x16: {  	s3 =	sld [smem:$0x3FDB];
	s0 =	simm.s32 @p2 $0x1  }
0x17: {  	s4 =	simm.s32 $0x1BF5;
	[smem:$0x3FB3] =	sst s0  }
0x18: {  	s0 =	sld [smem:$0x3F96];
	_ =	swait.ge [sflag:s4], $0x0  }
0x19: {  	s7 =	sld [smem:$0x3F97]  }
0x1a: {  	s8 =	sadd.s32 $0xFFFFE003, lr  }
0x1b: {  	s9 =	sadd.s32 $0xFFFFFEF7, lr;
	s5 =	simm.s32 $0xFFFFFFFF;
	p2 =	slt.u32 s8, $0xFFFFF086  }
0x1c: {  	p1 =	slt.u32 s9, $0xF7A;
	s5 =	simm.s32 @!p2 $0x0  }
0x1d: {  	s5 =	simm.s32 @p1 $0x1;
	p0 =	seq.s32 s7, s2  }
0x1e: {  	s7 =	smul.u32 @!p0 $0xF7A, s2;
	p2 =	seq.s32 @!p0 s5, $0x0  }
0x1f: {  	s9 =	smul.u32 $0xF7A, s1;
	s8 =	simm.s32 @!p0 $0x1BF5;
	p2 =	por !p2, p0  }
0x20: {  	[sflag:s8] =	ssyncset.s32 @!p0 $0xFFFFF086;
	s6 =	sadd.s32 @!p0 s3, s7;
	s7 =	simm.s32 @!p0 $0x108  }
0x21: {  	s3 =	sadd.s32 s3, s9;
	s6 =	sadd.s32 @!p0 $0x88, s6;
	s7 =	simm.s32 @p2 $0x1082  }
0x22: {  	[simem:s7], [sflag:s8] =	dma.local @!p0 [hbm:s6], $0xF7A  }
0x23: {  	s9 =	sor.u32 $0xD0000000, s2;
	s6 =	simm.s32 $0x108;
	_ =	swait.ge @!p0 [sflag:s8], $0x0  }
0x24: {  	s3 =	sadd.s32 $0x88, s3;
	s6 =	simm.s32 @!p1 $0x1082;
	[sflag:s4] =	ssyncset.s32 $0xFFFFF086  }
0x25: {  	[simem:s6], [sflag:s4] =	dma.local [hbm:s3], $0xF7A  }
0x26: {  	[smem:$0x3F97] =	sst s1;
	(tag) =	ssettag s2;
	_ =	strace s9  }
0x27: {  	s1 =	sld [smem:$0x3FA7]  }
0x28: {  	s2 =	sld [smem:$0x3FA8]  }
0x29: {  	s4 =	sld [smem:$0x3FAA]  }
0x2a: {  	p0 =	seq.s32 s5, $0x0;
	s5 =	sld [smem:$0x3FAB]  }
0x2b: {  	s6 =	sld [smem:$0x3FAC]  }
0x2c: {  	s7 =	sld [smem:$0x3FAD]  }
0x2d: {  	s3 =	simm.s32 $0x108;
	s8 =	sld [smem:$0x3FAE]  }
0x2e: {  	s3 =	simm.s32 @!p0 $0x1082;
	s9 =	sld [smem:$0x3FAF]  }
0x2f: {  	lr =	sadd.s32 s0, s3;
	s0 =	sld [smem:$0x3FA6]  }
0x30: {  	s3 =	sld [smem:$0x3FA9]  }
0x31: {  	[smem:$0x3FB2] =	sst s10  }
0x32: {  	s10 =	sld [smem:$0x3FB0];
	_ =	sdelay $0x3  }
0x33: {  	p0 =	seq.s32 s10, $0x1;
	s10 =	sld [smem:$0x3FB2];
	_ =	sdelay $0x3  }
0x34: {  	[smem:$0x3FB2] =	sst s10  }
0x35: {  	s10 =	sld [smem:$0x3FB1];
	_ =	sdelay $0x3  }
0x36: {  	p1 =	seq.s32 s10, $0x1;
	s10 =	sld [smem:$0x3FB2];
	_ =	sdelay $0x3  }
0x37: {  	[smem:$0x3FB2] =	sst s10  }
0x38: {  	s10 =	sld [smem:$0x3FB3]  }
0x39: {  	_ = 	snop;
	(pc) =	sbr.ind lr, $3  }
0x3a: {  	_ = 	snop  }
0x3b: {  	_ = 	snop  }
0x3c: {  	p2 =	seq.s32 s10, $0x1;
	s10 =	sld [smem:$0x3FB2]  }
0x3d: {  	_ =	shalt  }
0x3e: {  	_ =	shalt  }
0x3f: {  	_ =	shalt  }
0x40: {  	_ =	shalt  }
0x41: {  	_ =	shalt  }
0x42: {  	_ =	shalt  }
0x43: {  	_ =	shalt  }
0x44: {  	_ =	shalt  }
0x45: {  	_ =	shalt  }
0x46: {  	_ =	shalt  }
0x47: {  	_ =	shalt  }
0x48: {  	_ =	shalt  }
0x49: {  	_ =	shalt  }
0x4a: {  	_ =	shalt  }
0x4b: {  	_ =	shalt  }
0x4c: {  	_ =	shalt  }
0x4d: {  	_ =	shalt  }
0x4e: {  	_ =	shalt  }
0x4f: {  	_ =	shalt  }
0x50: {  	_ =	shalt  }
0x51: {  	_ =	shalt  }
0x52: {  	_ =	shalt  }
0x53: {  	_ =	shalt  }
0x54: {  	_ =	shalt  }
0x55: {  	_ =	shalt  }
0x56: {  	_ =	shalt  }
0x57: {  	_ =	shalt  }
0x58: {  	_ =	shalt  }
0x59: {  	_ =	shalt  }
0x5a: {  	_ =	shalt  }
0x5b: {  	_ =	shalt  }
0x5c: {  	_ =	shalt  }
0x5d: {  	_ =	shalt  }
0x5e: {  	_ =	shalt  }
0x5f: {  	_ =	shalt  }
0x60: {  	_ =	shalt  }
0x61: {  	_ =	shalt  }
0x62: {  	_ =	shalt  }
0x63: {  	_ =	shalt  }
0x64: {  	_ =	shalt  }
0x65: {  	_ =	shalt  }
0x66: {  	_ =	shalt  }
0x67: {  	_ =	shalt  }
0x68: {  	_ =	shalt  }
0x69: {  	_ =	shalt  }
0x6a: {  	_ =	shalt  }
0x6b: {  	_ =	shalt  }
0x6c: {  	_ =	shalt  }
0x6d: {  	_ =	shalt  }
0x6e: {  	_ =	shalt  }
0x6f: {  	_ =	shalt  }
0x70: {  	_ =	shalt  }
0x71: {  	_ =	shalt  }
0x72: {  	_ =	shalt  }
0x73: {  	_ =	shalt  }
0x74: {  	_ =	shalt  }
0x75: {  	_ =	shalt  }
0x76: {  	_ =	shalt  }
0x77: {  	_ =	shalt  }
0x78: {  	_ =	shalt  }
0x79: {  	_ =	shalt  }
0x7a: {  	_ =	shalt  }
0x7b: {  	_ =	shalt  }
0x7c: {  	_ =	shalt  }
0x7d: {  	_ =	shalt  }
0x7e: {  	_ =	shalt  }
0x7f: {  	_ =	shalt  }
0x80: {  	_ =	shalt  }
0x81: {  	_ =	shalt  }
0x82: {  	_ =	shalt  }
0x83: {  	_ =	shalt  }
0x84: {  	_ =	shalt  }
0x85: {  	_ =	shalt  }
0x86: {  	_ =	shalt  }
0x87: {  	_ =	shalt  }
.Lfunc_end0:
.L_simem_size_0:
called_computation_lowered:
.L_overlay_start_0:
0x88: {  	s2 =	sld [smem:$0x3FD9]  }
0x89: {  	s3 =	sld [smem:$0x3FFE];
	_ =	sdelay $0x1  }
0x8a: {  	s1 =	srdreg.scid  }
0x8b: {  	s0 =	sand.u32 $0x1, s1  }
0x8c: {  	s17 =	sshll.u32 s0, $0xA;
	s2 =	sadd.s32 s3, s2  }
0x8d: {  	s2 =	sadd.s32 s2, s17  }
0x8e: {  	[smem:$0x3FBE] =	sst s2  }
0x8f: {  	_ = 	snop  }
0x90: {  	s2 =	sld [smem:$0x3FD0];
	(tm) =	ssettm $0x1  }
0x91: {  	s18 =	sld [smem:$0x3FFB];
	_ =	sdelay $0x3  }
0x92: {  	_ =	strace s18  }
0x93: {  	s3 =	sld [smem:$0x3FFC];
	_ =	sdelay $0x3  }
0x94: {  	_ =	strace s3  }
0x95: {  	s3 =	sld [smem:$0x3FFD];
	_ =	sdelay $0x3  }
0x96: {  	_ =	strace s3  }
0x97: {  	_ =	strace $0x8FFFFFFF  }
0x98: {  	s19 =	sld [smem:$0x3FDB];
	_ =	sdelay $0x1  }
0x99: {  	s4 =	simm.s32 $_scs_section_size  }
0x9a: {  	s5 =	simm.s32 $_size__tile_overlayer_lowered;
	s6 =	simm.s32 $_tile_overlayer_lowered  }
0x9b: {  	s22 =	simm.s32 $0x1BFF;
	s21 =	sshll.u32 s6, $0x1;
	s3 =	sadd.s32 s4, s19  }
0x9c: {  	s7 =	simm.s32 $0x0;
	s20 =	sshll.u32 s5, $0x1;
	s5 =	sadd.s32 s21, s3  }
0x9d: {  	[timem:s7], [sflag:s22] =	dma.local [hbm:s5], s20  }
0x9e: {  	_ =	swait.ge [sflag:s22], s20  }
0x9f: {  	s4 =	ssub.s32 $0x0, s20;
	[sflag:s22] =	ssyncset.done $0x0  }
0xa0: {  	[sflag:s22] =	ssyncadd.s32 s4;
	_ =	sdelay $0x1  }
0xa1: {  	s23 =	simm.s32 $0x1B8B  }
0xa2: {  	_ =	swait.ge [sflag:s23], $0x1  }
0xa3: {  	[sflag:s23] =	ssyncset.done $0x0  }
0xa4: {  	s25 =	simm.s32 $0x1B8E;
	s24 =	sld [smem:$0x3FFE];
	[sflag:s23] =	ssyncadd.s32 $0xFFFFFFFF  }
0xa5: {  	s26 =	simm.s32 $execute0_lowered;
	[smem:$0x3FD2] =	sst s25  }
0xa6: {  	s5 =	sshll.u32 s26, $0x1;
	_ =	strace $0x80000046;
	[dreg:$0x1] =	wrdreg $0xFFFFFFFF  }
0xa7: {  	s28 =	simm.s32 $_size_execute0_lowered;
	s3 =	sadd.s32 s3, s5;
	[dreg:$0x0] =	wrdreg $0x0  }
0xa8: {  	s5 =	sshll.u32 s28, $0x1;
	[dreg:$0x2] =	wrdreg s3  }
0xa9: {  	[dreg:$0x3] =	wrdreg s5  }
0xaa: {  	[dreg:$0x4] =	wrdreg $0xC0  }
0xab: {  	_ =	task [dreg:s7], $0x5FFFF  }
0xac: {  	[dreg:$0x1] =	wrdreg $0xFFFFFFFF  }
0xad: {  	[dreg:$0x0] =	wrdreg $0x60  }
0xae: {  	[dreg:$0x2] =	wrdreg s24  }
0xaf: {  	[dreg:$0x3] =	wrdreg s2  }
0xb0: {  	[dreg:$0x4] =	wrdreg $0x0  }
0xb1: {  	[dreg:$0x5] =	wrdreg $0x170000  }
0xb2: {  	[dreg:$0x6] =	wrdreg $0x9  }
0xb3: {  	_ =	task.clear_ibuf [dreg:s7], $0x7FFFF;
	_ =	strace $0x90000046  }
0xb4: {  	s29 =	simm.s32 $0x9;
	_ =	strace $0x80000048  }
0xb5: {  	_ =	swait.ge [sflag:s29], $0x1  }
0xb6: {  	[sflag:s29] =	ssyncadd.s32 $0xFFFFFFFF  }
0xb7: {  	_ =	strace $0x90000048  }
0xb8: {  	_ =	sfence  }
0xb9: {  	s30 =	sld [smem:$0x0];
	_ =	sdelay $0x2  }
0xba: {  	s31 =	sshll.u32 s1, $0xD;
	s1 =	sshrl.u32 s1, $0x2  }
0xbb: {  	s3 =	sand.u32 $0x4000, s31;
	s1 =	sadd.s32 s1, s30  }
0xbc: {  	s0 =	sor.u32 s3, s0;
	s1 =	sshll.u32 s1, $0x11  }
0xbd: {  	s0 =	sor.u32 s1, s0  }
0xbe: {  	s0 =	sadd.s32 $0x8F2B, s0  }
0xbf: {  	[sflag:s0] =	ssyncadd.remote.s32 $0x1  }
0xc0: {  	_ =	sfence.sel $0xFFFF  }
0xc1: {  	[dreg:$0x0] =	wrdreg $0xFFFFFFFF;
	(pc) =	sbr.abs _section_cstart, $3  }
0xc2: {  	[dreg:$0x1] =	wrdreg $0xFFFFFFFF  }
0xc3: {  	_ =	task.clear_ibuf [dreg:s7], $0x2FFFF;
	_ =	strace $0x9FFFFFFF  }
0xc4: {  	(tm) =	ssettm $0x7FFFFFFF  }
0xc5: {  	_ =	shalt  }
tec
execute0_lowered:
.L_overlay_start_1:
0x0: {  	(tag) =	ssettag $0x1  }
0x1: {  	s0 =	srdreg.scid;
	s1 =	rddreg [dreg:$0x0]  }
0x2: {  	s11 =	rddreg [dreg:$0x1];
	s15 =	stileid.u32  }
0x3: {  	s2 =	rddreg [dreg:$0x2];
	s16 =	simm.s32 $0xA000;
	s19 =	simm.s32 $0x19800  }
0x4: {  	s28 =	simm.s32 $0xEE00;
	s29 =	simm.s32 $0xEF00;
	s30 =	simm.s32 $0x3  }
0x5: {  	s31 =	simm.s32 $0x0;
	s0 =	sand.u32 $0x1, s0;
	s7 =	smul.u32 $0xA000, s15  }
0x6: {  	s5 =	sadd.s32 $0x1C00, s1;
	s12 =	smul.u32 $0x2800, s15;
	s21 =	sadd.s32 $0x29C00, s1  }
0x7: {  	s24 =	sshll.u32 s15, $0x6;
	s3 =	sshll.u32 s0, $0x4;
	s8 =	smul.u32 $0xA0000, s0  }
0x8: {  	s9 =	smul.u32 $0x28000, s0;
	s0 =	ssub.s32 $0x2, s0;
	s4 =	sor.u32 s15, s3  }
0x9: {  	s3 =	rddreg [dreg:$0x3];
	s20 =	sshrl.u32 s7, $0x3;
	s23 =	sshrl.u32 s0, $0x1  }
0xa: {  	s25 =	sadd.s32 s7, s2;
	s26 =	sshrl.u32 s12, $0x3;
	s6 =	smul.u32 $0x500, s4  }
0xb: {  	s4 =	simm.s32 $0x0;
	s13 =	sadd.s32 s20, s1;
	s8 =	sadd.s32 s7, s8  }
0xc: {  	s9 =	sadd.s32 s12, s9;
	s0 =	ssub.s32 s0, s23;
	s17 =	sadd.s32 s12, s3  }
0xd: {  	s11 =	sadd.s32 s11, s26;
	s15 =	sshrl.u32 s25, $0x3;
	s20 =	simm.s32 $0x1  }
0xe: {  	s23 =	simm.s32 $0x13000;
	s25 =	simm.s32 $0x2;
	[smem:$0x7FF] =	sst s4  }
0xf: {  	s8 =	sshrl.u32 s8, $0x3;
	s22 =	sshrl.u32 s9, $0x3;
	s7 =	sadd.s32 $0x29E00, s13  }
0x10: {  	s18 =	sshrl.u32 s17, $0x3;
	_ =	strace $0x80000047;
	s10 =	sadd.s32 s6, s1  }
0x11: {  	[dreg:$0x5] =	wrdreg s21;
	s14 =	sadd.s32 s8, s1;
	s1 =	sadd.s32 s22, s1  }
0x12: {  	s8 =	sor.u32 $0x1C01, s24;
	s21 =	simm.s32 $0x100;
	s22 =	simm.s32 $0xF000  }
0x13: {  	s24 =	simm.s32 $0x4;
	s9 =	sadd.s32 $0x1FC00, s10;
	s10 =	sadd.s32 $0x15C00, s10  }
0x14: {  	s12 =	sadd.s32 $0x47E00, s14;
	s13 =	sadd.s32 $0x3DE00, s1;
	s14 =	smax.u32 s0, $0x1  }
.LBB2_1:
0x15: {  	[spmem:s15], [sflag:s8] =	dma.local [hbm:s7], $0x1400  }
0x16: {  	[tilespmem:s16], [sflag:$0x1] =	stream.linear.gather [hbm4b:s9+s4], $0x2800, $0x38;
	[tilespmem:$0x1A800] =	vst v63  }
0x17: {  	s0 =	simm.s32 $0xC800  }
0x18: {  	[tilespmem:s0], [sflag:$0x1] =	stream.linear.gather [hbm4b:s10+s4], $0x2800, $0x38;
	[tilespmem:$0x1A800] =	vst v63  }
0x19: {  	[spmem:s18], [sflag:s8] =	dma.local [hbm:s11], $0x500  }
0x1a: {  	s1 =	rddreg [dreg:$0x5]  }
0x1b: {  	[tilespmem:s19], [sflag:$0x1] =	stream.linear.gather [hbm4b:s1+s4], $0x1000, $0x38;
	[tilespmem:$0x1A800] =	vst v63  }
0x1c: {  	_ =	swait.ge [sflag:s20], $0x1400  }
0x1d: {  	[sflag:s20] =	ssyncset.done $0x0  }
0x1e: {  	[sflag:s20] =	ssyncadd.s32 $0xFFFFEC00  }
0x1f: {  	_ =	swait.ge [sflag:s20], $0x2800  }
0x20: {  	[sflag:s20] =	ssyncset.done $0x0  }
0x21: {  	[sflag:s20] =	ssyncadd.s32 $0xFFFFD800  }
0x22: {  	_ =	swait.ge [sflag:s20], $0x2800  }
0x23: {  	[sflag:s20] =	ssyncset.done $0x0  }
0x24: {  	[sflag:s20] =	ssyncadd.s32 $0xFFFFD800  }
0x25: {  	_ =	swait.ge [sflag:s20], $0x500  }
0x26: {  	[sflag:s20] =	ssyncset.done $0x0  }
0x27: {  	[sflag:s20] =	ssyncadd.s32 $0xFFFFFB00  }
0x28: {  	_ =	swait.ge [sflag:s20], $0x1000  }
0x29: {  	[sflag:s20] =	ssyncset.done $0x0  }
0x2a: {  	[sflag:s20] =	ssyncadd.s32 $0xFFFFF000  }
0x2b: {  	[bflag:$0x0] =	sbarrier.arrive $0xFFFF  }
0x2c: {  	[tilespmem:s22], [sflag:$0x1] =	stream.indirect.gather [hbm4b:s5+s21], $0x40, s16, s21, $0xb8;
	[tilespmem:$0x1A800] =	vst v63  }
0x2d: {  	s6 =	simm.s32 $0xA100  }
0x2e: {  	[tilespmem:s23], [sflag:$0x2] =	stream.indirect.gather [hbm4b:s5+s21], $0x40, s6, s21, $0xb8;
	[tilespmem:$0x1A800] =	vst v63  }
0x2f: {  	_ =	swait.ge [sflag:s20], $0x4000  }
0x30: {  	[sflag:s20] =	ssyncset.done $0x0  }
0x31: {  	s17 =	simm.s32 $0xC800;
	[sflag:s20] =	ssyncadd.s32 $0xFFFFC000  }
0x32: {  	[spmem:s2] =	stream.indirect.scatter.add.f32 [tilespmem:s22], [sflag:$0x4], $0x40, s17, s21, $0xb8;
	[tilespmem:$0x1A800] =	vst v63  }
0x33: {  	_ =	swait.ge [sflag:s24], $0x4000  }
0x34: {  	[sflag:s24] =	ssyncset.done $0x0  }
0x35: {  	[sflag:s24] =	ssyncadd.s32 $0xFFFFC000  }
0x36: {  	[spmem:s3] =	stream.indirect.scatter.add.f32 [tilespmem:s19], [sflag:$0x3], $0x10, s17, s21, $0xb8;
	[tilespmem:$0x1A800] =	vst v63  }
0x37: {  	s26 =	simm.s32 $0xA200  }
0x38: {  	[tilespmem:s22], [sflag:$0x1] =	stream.indirect.gather [hbm4b:s5+s21], $0x40, s26, s21, $0xb8;
	[tilespmem:$0x1A800] =	vst v63  }
0x39: {  	_ =	swait.ge [sflag:s25], $0x4000  }
0x3a: {  	[sflag:s25] =	ssyncset.done $0x0  }
0x3b: {  	s0 =	simm.s32 $0xC900;
	[sflag:s25] =	ssyncadd.s32 $0xFFFFC000  }
0x3c: {  	[spmem:s2] =	stream.indirect.scatter.add.f32 [tilespmem:s23], [sflag:$0x4], $0x40, s0, s21, $0xb8;
	[tilespmem:$0x1A800] =	vst v63  }
0x3d: {  	_ =	swait.ge [sflag:s24], $0x4000  }
0x3e: {  	[sflag:s24] =	ssyncset.done $0x0  }
0x3f: {  	s1 =	simm.s32 $0x200;
	s17 =	simm.s32 $0x1000;
	[sflag:s24] =	ssyncadd.s32 $0xFFFFC000  }
.LBB2_2:
0x40: {  	[spmem:s3] =	stream.indirect.scatter.add.f32 [tilespmem:s19], [sflag:$0x3], $0x10, s0, s21, $0xb8;
	[tilespmem:$0x1A800] =	vst v63  }
0x41: {  	s0 =	smov.u32 s17  }
0x42: {  	s6 =	sadd.s32 $0x800, s17;
	s26 =	sshra.s32 s0, $0x2;
	s0 =	sadd.s32 $0xA100, s1  }
0x43: {  	[tilespmem:s23], [sflag:$0x2] =	stream.indirect.gather [hbm4b:s5+s21], $0x40, s0, s21, $0xb8;
	[tilespmem:$0x1A800] =	vst v63  }
0x44: {  	p0 =	sne.s32 s17, $0x9000;
	_ =	swait.ge [sflag:s20], $0x4000  }
0x45: {  	[sflag:s20] =	ssyncset.done $0x0  }
0x46: {  	s0 =	sadd.s32 $0xC800, s1;
	[sflag:s20] =	ssyncadd.s32 $0xFFFFC000  }
0x47: {  	[spmem:s2] =	stream.indirect.scatter.add.f32 [tilespmem:s22], [sflag:$0x4], $0x40, s0, s21, $0xb8;
	[tilespmem:$0x1A800] =	vst v63  }
0x48: {  	_ =	swait.ge [sflag:s24], $0x4000  }
0x49: {  	[sflag:s24] =	ssyncset.done $0x0  }
0x4a: {  	[sflag:s24] =	ssyncadd.s32 $0xFFFFC000  }
0x4b: {  	[spmem:s3] =	stream.indirect.scatter.add.f32 [tilespmem:s19], [sflag:$0x3], $0x10, s0, s21, $0xb8;
	[tilespmem:$0x1A800] =	vst v63  }
0x4c: {  	s0 =	sadd.s32 $0xA200, s1  }
0x4d: {  	[tilespmem:s22], [sflag:$0x1] =	stream.indirect.gather [hbm4b:s5+s21], $0x40, s0, s21, $0xb8;
	[tilespmem:$0x1A800] =	vst v63  }
0x4e: {  	_ =	swait.ge [sflag:s25], $0x4000  }
0x4f: {  	[sflag:s25] =	ssyncset.done $0x0  }
.Ltmp0:
0x50: {  	s0 =	sadd.s32 $0xC900, s1;
	[sflag:s25] =	ssyncadd.s32 $0xFFFFC000;
	(pc) =	sbr.rel @p0 .LBB2_2-.Ltmp0, $4  }
0x51: {  	[spmem:s2] =	stream.indirect.scatter.add.f32 [tilespmem:s23], [sflag:$0x4], $0x40, s0, s21, $0xb8;
	[tilespmem:$0x1A800] =	vst v63  }
0x52: {  	s1 =	smov.u32 s26;
	_ =	swait.ge [sflag:s24], $0x4000  }
0x53: {  	[sflag:s24] =	ssyncset.done $0x0  }
0x54: {  	s17 =	smov.u32 s6;
	[sflag:s24] =	ssyncadd.s32 $0xFFFFC000  }
0x55: {  	[spmem:s3] =	stream.indirect.scatter.add.f32 [tilespmem:s19], [sflag:$0x3], $0x10, s0, s21, $0xb8;
	[tilespmem:$0x1A800] =	vst v63  }
0x56: {  	s17 =	sadd.s32 $0xA100, s1  }
0x57: {  	[tilespmem:s23], [sflag:$0x2] =	stream.indirect.gather [hbm4b:s5+s21], $0x40, s17, s21, $0xb8;
	[tilespmem:$0x1A800] =	vst v63  }
0x58: {  	_ =	swait.ge [sflag:s20], $0x4000  }
0x59: {  	[sflag:s20] =	ssyncset.done $0x0  }
0x5a: {  	s26 =	sadd.s32 $0xC800, s1;
	[sflag:s20] =	ssyncadd.s32 $0xFFFFC000  }
0x5b: {  	[spmem:s2] =	stream.indirect.scatter.add.f32 [tilespmem:s22], [sflag:$0x4], $0x40, s26, s21, $0xb8;
	[tilespmem:$0x1A800] =	vst v63  }
0x5c: {  	_ =	swait.ge [sflag:s24], $0x4000  }
0x5d: {  	[sflag:s24] =	ssyncset.done $0x0  }
0x5e: {  	[sflag:s24] =	ssyncadd.s32 $0xFFFFC000  }
0x5f: {  	[spmem:s3] =	stream.indirect.scatter.add.f32 [tilespmem:s19], [sflag:$0x3], $0x10, s26, s21, $0xb8;
	[tilespmem:$0x1A800] =	vst v63  }
0x60: {  	s6 =	sadd.s32 $0xA200, s1  }
0x61: {  	[tilespmem:s22], [sflag:$0x1] =	stream.indirect.gather [hbm4b:s5+s21], $0x40, s6, s21, $0xb8;
	[tilespmem:$0x1A800] =	vst v63  }
0x62: {  	_ =	swait.ge [sflag:s25], $0x4000  }
0x63: {  	[sflag:s25] =	ssyncset.done $0x0  }
0x64: {  	s17 =	sadd.s32 $0xC900, s1;
	[sflag:s25] =	ssyncadd.s32 $0xFFFFC000  }
0x65: {  	[spmem:s2] =	stream.indirect.scatter.add.f32 [tilespmem:s23], [sflag:$0x4], $0x40, s17, s21, $0xb8;
	[tilespmem:$0x1A800] =	vst v63  }
0x66: {  	_ =	swait.ge [sflag:s24], $0x4000  }
0x67: {  	[sflag:s24] =	ssyncset.done $0x0  }
0x68: {  	[sflag:s24] =	ssyncadd.s32 $0xFFFFC000  }
0x69: {  	[spmem:s3] =	stream.indirect.scatter.add.f32 [tilespmem:s19], [sflag:$0x3], $0x10, s17, s21, $0xb8;
	[tilespmem:$0x1A800] =	vst v63  }
0x6a: {  	s26 =	simm.s32 $0xC700  }
0x6b: {  	[tilespmem:s23], [sflag:$0x2] =	stream.indirect.gather [hbm4b:s5+s21], $0x40, s26, s21, $0xb8;
	[tilespmem:$0x1A800] =	vst v63  }
0x6c: {  	_ =	swait.ge [sflag:s20], $0x4000  }
0x6d: {  	[sflag:s20] =	ssyncset.done $0x0  }
0x6e: {  	[sflag:s20] =	ssyncadd.s32 $0xFFFFC000  }
0x6f: {  	[spmem:s2] =	stream.indirect.scatter.add.f32 [tilespmem:s22], [sflag:$0x4], $0x40, s28, s21, $0xb8;
	[tilespmem:$0x1A800] =	vst v63  }
0x70: {  	_ =	swait.ge [sflag:s24], $0x4000  }
0x71: {  	[sflag:s24] =	ssyncset.done $0x0  }
0x72: {  	[sflag:s24] =	ssyncadd.s32 $0xFFFFC000  }
0x73: {  	[spmem:s3] =	stream.indirect.scatter.add.f32 [tilespmem:s19], [sflag:$0x3], $0x10, s28, s21, $0xb8;
	[tilespmem:$0x1A800] =	vst v63  }
0x74: {  	_ =	swait.ge [sflag:s25], $0x4000  }
0x75: {  	[sflag:s25] =	ssyncset.done $0x0  }
0x76: {  	[sflag:s25] =	ssyncadd.s32 $0xFFFFC000  }
0x77: {  	[spmem:s2] =	stream.indirect.scatter.add.f32 [tilespmem:s23], [sflag:$0x4], $0x40, s29, s21, $0xb8;
	[tilespmem:$0x1A800] =	vst v63  }
0x78: {  	_ =	swait.ge [sflag:s24], $0x4000  }
0x79: {  	[sflag:s24] =	ssyncset.done $0x0  }
0x7a: {  	[sflag:s24] =	ssyncadd.s32 $0xFFFFC000  }
0x7b: {  	[spmem:s3] =	stream.indirect.scatter.add.f32 [tilespmem:s19], [sflag:$0x3], $0x10, s29, s21, $0xb8;
	[tilespmem:$0x1A800] =	vst v63  }
0x7c: {  	_ =	swait.ge [sflag:s30], $0x1000  }
0x7d: {  	s0 =	simm.s32 $0x27;
	[sflag:s30] =	ssyncset.done $0x0  }
.LBB2_4:
0x7e: {  	p0 =	sne.s32 s0, $0x1;
	s0 =	sadd.s32 $0xFFFFFFFF, s0;
	[sflag:s30] =	ssyncadd.s32 $0xFFFFF000  }
.Ltmp1:
0x7f: {  	(pc) =	sbr.rel @p0 .LBB2_4-.Ltmp1, $3  }
0x80: {  	_ =	sdelay $0x1  }
0x81: {  	_ =	swait.ge [sflag:s30], $0x1000  }
0x82: {  	[sflag:s30] =	ssyncset.done $0x0  }
0x83: {  	[sflag:s30] =	ssyncadd.s32 $0xFFFFF000  }
0x84: {  	s31 =	sadd.s32 $0x1, s31;
	[bflag:$0x0] =	sbarrier.arrive $0xFFFF  }
0x85: {  	[hbm:s12], [sflag:s8] =	dma.local [spmem:s15], $0x1400  }
0x86: {  	[hbm:s13], [sflag:s8] =	dma.local [spmem:s18], $0x500  }
0x87: {  	p0 =	sne.s32 s31, s14;
	_ =	swait.ge [sflag:s20], $0x1400  }
.Ltmp2:
0x88: {  	[sflag:s20] =	ssyncset.done $0x0;
	(pc) =	sbr.rel @p0 .LBB2_1-.Ltmp2, $4  }
0x89: {  	[sflag:s20] =	ssyncadd.s32 $0xFFFFEC00  }
0x8a: {  	_ =	swait.ge [sflag:s20], $0x500  }
0x8b: {  	[sflag:s20] =	ssyncset.done $0x0  }
0x8c: {  	[sflag:s20] =	ssyncadd.s32 $0xFFFFFB00  }
0x8d: {  	_ =	sfence.sel $0x180000  }
0x8e: {  	[bflag:$0x0] =	sbarrier.arrive $0xFFFF  }
0x8f: {  	_ =	strace $0x90000047  }
0x90: {  	s0 =	stileid.u32;
	[bflag:$0x2] =	sbarrier.arrive $0xFFFF  }
0x91: {  	p0 =	sne.s32 s0, $0x0;
	s0 =	rddreg [dreg:$0x4]  }
0x92: {  	s0 =	sadd.s32 @!p0 $0x100000, s0  }
0x93: {  	[sflag:s0] =	ssyncadd.tile.s32 @!p0 $0x1;
	_ =	shalt  }
.Lfunc_end2:
_tile_overlayer_lowered:
.L_overlay_start_2:
0x94: {  	(tag) =	ssettag $0x2  }
0x95: {  	s0 =	rddreg [dreg:$0x0];
	s2 =	stileid.u32  }
0x96: {  	s1 =	rddreg [dreg:$0x1];
	p0 =	sne.s32 s2, $0x0  }
0x97: {  	s3 =	rddreg [dreg:$0x2];
	[bflag:$0x3] =	sbarrier.arrive $0xFFFF;
	s2 =	simm.s32 @!p0 $0x1C04  }
0x98: {  	[timem:s3], [sflag:s2] =	dma.local @!p0 [hbm:s0], s1  }
0x99: {  	s0 =	simm.s32 @!p0 $0x4  }
0x9a: {  	_ =	swait.ge @!p0 [sflag:s0], s1  }
0x9b: {  	s1 =	ssub.s32 @!p0 $0x0, s1;
	[sflag:s0] =	ssyncset.done @!p0 $0x0  }
0x9c: {  	[sflag:s0] =	ssyncadd.s32 @!p0 s1  }
0x9d: {  	[bflag:$0x3] =	sbarrier.arrive $0xFFFF  }
0x9e: {  	_ =	shalt  }

</sc_bundles>
